<compile_context>
chip_gen: v7x
topology: tpu7x:2x2x1
jax: 0.10.2.dev20260603
libtpu: 0.0.44.dev20260713+nightly
codegen_flags: <defaults>
</compile_context>

<pallas_src>
import functools

import jax
import jax.numpy as jnp
from jax import lax
from jax.experimental import pallas as pl
from jax.experimental.pallas import tpu as pltpu
from jax.experimental.pallas import tpu_sc as plsc

_N = 10000
_E = 160000
_D = 256

_NC = 2
_NS = 16
_K = 128
_EPAD = ((_E + 2 * _NS * _K - 1) // (2 * _NS * _K)) * (2 * _NS * _K)
_CPT = _EPAD // (_NS * _K)
_EPT = _EPAD // _NS
_NROW = 10240
_RPT = _NROW // _NS
_DH = _D // 2
_BM = 400
_NB = _N // _BM

_mesh = plsc.VectorSubcoreMesh(
    core_axis_name="c", subcore_axis_name="s", num_cores=_NC, num_subcores=_NS
)


@functools.partial(
    pl.kernel,
    out_type=jax.ShapeDtypeStruct((_NROW,), jnp.float32),
    mesh=_mesh,
    scratch_types=[
        pltpu.VMEM((_EPT,), jnp.int32),
        pltpu.VMEM((_NROW,), jnp.float32),
        pltpu.VMEM((_RPT,), jnp.float32),
        pltpu.VMEM((_RPT,), jnp.float32),
        pltpu.VMEM_SHARED((_NS, _NROW), jnp.float32),
    ],
    compiler_params=pltpu.CompilerParams(needs_layout_passes=False),
)
def _deg_kernel(dst_hbm, deg_out, dvm, cnt, tbuf, psum, stage):
    c = lax.axis_index("c")
    s = lax.axis_index("s")

    @pl.when(c == 0)
    def _():
        zeros16 = jnp.zeros((16,), jnp.float32)
        ones16 = jnp.ones((16,), jnp.float32)

        def zbody(i, carry):
            cnt[pl.ds(i * 16, 16)] = zeros16
            return carry

        lax.fori_loop(0, _NROW // 16, zbody, 0)

        pltpu.sync_copy(dst_hbm.at[pl.ds(s * _EPT, _EPT)], dvm)

        def cbody(i, carry):
            idx = dvm[pl.ds(i * 16, 16)]
            plsc.addupdate_scatter(cnt, [idx], ones16)
            return carry

        lax.fori_loop(0, _EPT // 16, cbody, 0)

        pltpu.sync_copy(cnt, stage.at[s])
        plsc.subcore_barrier()

        base = s * _RPT

        def ibody(i, carry):
            psum[pl.ds(i * 16, 16)] = ones16
            return carry

        lax.fori_loop(0, _RPT // 16, ibody, 0)

        def tloop(t, carry):
            pltpu.sync_copy(stage.at[t, pl.ds(base, _RPT)], tbuf)

            def vloop(v, inner):
                psum[pl.ds(v * 16, 16)] = (
                    psum[pl.ds(v * 16, 16)] + tbuf[pl.ds(v * 16, 16)]
                )
                return inner

            lax.fori_loop(0, _RPT // 16, vloop, 0)
            return carry

        lax.fori_loop(0, _NS, tloop, 0)
        pltpu.sync_copy(psum, deg_out.at[pl.ds(base, _RPT)])


@functools.partial(
    pl.kernel,
    out_type=jax.ShapeDtypeStruct((_NC, _NROW, _DH), jnp.float32),
    mesh=_mesh,
    scratch_types=[
        pltpu.VMEM((_CPT, _K), jnp.int32),
        pltpu.VMEM((_CPT, _K), jnp.int32),
        pltpu.VMEM((_K, _DH), jnp.float32),
        pltpu.VMEM_SHARED((_NROW, _DH), jnp.float32),
        pltpu.SemaphoreType.DMA,
    ],
    compiler_params=pltpu.CompilerParams(needs_layout_passes=False),
)
def _scatter_kernel(table, srcs3, dst3, acc_out, sidx, didx, gbuf, acc, sem):
    c = lax.axis_index("c")
    s = lax.axis_index("s")

    pltpu.sync_copy(srcs3.at[c, s], sidx)
    pltpu.sync_copy(dst3.at[s], didx)

    zeros16 = jnp.zeros((16,), jnp.float32)

    def zbody(i, carry):
        gbuf[i >> 3, pl.ds((i & 7) * 16, 16)] = zeros16
        return carry

    lax.fori_loop(0, _K * _DH // 16, zbody, 0)

    def zcopy(i, carry):
        pltpu.sync_copy(gbuf, acc.at[pl.ds(s * _RPT + i * _K, _K)])
        return carry

    lax.fori_loop(0, _RPT // _K, zcopy, 0)
    plsc.subcore_barrier()

    def chunk(j, carry):
        pltpu.async_copy(table.at[sidx.at[j]], gbuf, sem).wait()
        pltpu.sync_copy(gbuf, acc.at[didx.at[j]], add=True)
        return carry

    lax.fori_loop(0, _CPT, chunk, 0)
    plsc.subcore_barrier()

    pltpu.sync_copy(
        acc.at[pl.ds(s * _RPT, _RPT)], acc_out.at[c, pl.ds(s * _RPT, _RPT)]
    )


def _mm_scale_body(x_ref, w_ref, deg_ref, g_ref):
    y = jnp.dot(x_ref[...], w_ref[...], preferred_element_type=jnp.float32)
    dinv = lax.rsqrt(deg_ref[0, 0, :])
    g = y * dinv[:, None]
    g_ref[0] = g[:, :_DH]
    g_ref[1] = g[:, _DH:]


def _mm_scale(x, w_gcn, deg3):
    return pl.pallas_call(
        _mm_scale_body,
        grid=(_NB,),
        in_specs=[
            pl.BlockSpec((_BM, _D), lambda i: (i, 0)),
            pl.BlockSpec((_D, _D), lambda i: (0, 0)),
            pl.BlockSpec((1, 1, _BM), lambda i: (i, 0, 0)),
        ],
        out_specs=pl.BlockSpec((_NC, _BM, _DH), lambda i: (0, i, 0)),
        out_shape=jax.ShapeDtypeStruct((_NC, _N, _DH), jnp.float32),
    )(x, w_gcn, deg3)


def _final_body(acc_ref, g_ref, deg_ref, bg_ref, wl_ref, bl_ref, o_ref):
    accf = jnp.concatenate([acc_ref[0], acc_ref[1]], axis=1)
    gf = jnp.concatenate([g_ref[0], g_ref[1]], axis=1)
    dinv = lax.rsqrt(deg_ref[0, 0, :])
    z = (accf + gf) * dinv[:, None] + bg_ref[...]
    o = jnp.dot(z, wl_ref[...], preferred_element_type=jnp.float32) + bl_ref[...]
    o_ref[...] = jnp.maximum(o, 0.0)


def _final(acc, g2, deg3, b_gcn, w_lin, b_lin):
    return pl.pallas_call(
        _final_body,
        grid=(_NB,),
        in_specs=[
            pl.BlockSpec((_NC, _BM, _DH), lambda i: (0, i, 0)),
            pl.BlockSpec((_NC, _BM, _DH), lambda i: (0, i, 0)),
            pl.BlockSpec((1, 1, _BM), lambda i: (i, 0, 0)),
            pl.BlockSpec((1, _D), lambda i: (0, 0)),
            pl.BlockSpec((_D, _D), lambda i: (0, 0)),
            pl.BlockSpec((1, _D), lambda i: (0, 0)),
        ],
        out_specs=pl.BlockSpec((_BM, _D), lambda i: (i, 0)),
        out_shape=jax.ShapeDtypeStruct((_N, _D), jnp.float32),
    )(acc, g2, deg3, b_gcn, w_lin, b_lin)


def kernel(x, edge_index, W_gcn, b_gcn, W_lin, b_lin):
    src = edge_index[0].astype(jnp.int32)
    dst = edge_index[1].astype(jnp.int32)

    pad = _EPAD - _E
    src_p = jnp.concatenate([src, jnp.zeros((pad,), jnp.int32)])
    dst_p = jnp.concatenate([dst, jnp.full((pad,), _N, jnp.int32)])
    srcs3 = jnp.stack([src_p, src_p + _N]).reshape(_NC, _NS, _CPT, _K)
    dst3 = dst_p.reshape(_NS, _CPT, _K)

    deg = _deg_kernel(dst_p)
    deg3 = deg[:_N].reshape(_NB, 1, _BM)

    g2 = _mm_scale(x, W_gcn, deg3)
    table = g2.reshape(_NC * _N, _DH)

    acc = _scatter_kernel(table, srcs3, dst3)

    return _final(
        acc, g2, deg3, b_gcn.reshape(1, _D), W_lin, b_lin.reshape(1, _D)
    )

# --- scband reference (transcript-rebuilt; emitter-appended) ---
"""Pipeline reference for scband-leconv-layer-18829136626165 (READ-ONLY COPY).

The authoritative reference and input builder live on the scoring server;
editing this copy changes nothing except your own understanding.
"""

import jax, jax.numpy as jnp
import numpy as np

N_NODES = 10000
N_EDGES = 160000
D = 256

def setup_inputs(seed: int = 0) -> dict:
    key = jax.random.key(seed)
    k1, k2, k3, k4, k5, k6 = jax.random.split(key, 6)
    x = jax.random.normal(k1, (N_NODES, D), dtype=jnp.float32)
    edge_index = jax.random.randint(k2, (2, N_EDGES), 0, N_NODES, dtype=jnp.int64)
    scale = 1.0 / np.sqrt(D)
    W_gcn = jax.random.uniform(k3, (D, D), dtype=jnp.float32, minval=-scale, maxval=scale)
    b_gcn = jnp.zeros((D,), dtype=jnp.float32)
    W_lin = jax.random.uniform(k4, (D, D), dtype=jnp.float32, minval=-scale, maxval=scale)
    b_lin = jax.random.uniform(k5, (D,), dtype=jnp.float32, minval=-scale, maxval=scale)
    return {"x": x, "edge_index": edge_index, "W_gcn": W_gcn, "b_gcn": b_gcn, "W_lin": W_lin, "b_lin": b_lin}

def _gcn_conv(x, edge_index, W, b):
    n = x.shape[0]
    src = edge_index[0]
    dst = edge_index[1]
    # add self-loops (PyG GCNConv default add_self_loops=True)
    loop = jnp.arange(n, dtype=edge_index.dtype)
    src = jnp.concatenate([src, loop])
    dst = jnp.concatenate([dst, loop])
    # symmetric normalization D^{-1/2} A_hat D^{-1/2}
    deg = jnp.zeros((n,), dtype=x.dtype).at[dst].add(1.0)
    deg_inv_sqrt = jnp.where(deg > 0, jax.lax.rsqrt(jnp.maximum(deg, 1e-12)), 0.0)
    norm = deg_inv_sqrt[src] * deg_inv_sqrt[dst]
    h = x @ W
    msg = h[src] * norm[:, None]
    out = jax.ops.segment_sum(msg, dst, num_segments=n)
    return out + b

def reference(x, edge_index, W_gcn, b_gcn, W_lin, b_lin):
    h = _gcn_conv(x, edge_index, W_gcn, b_gcn)
    h = h @ W_lin + b_lin
    return jax.nn.relu(h)

if __name__ == "__main__":
    import jax
    _d = setup_inputs()
    print(jax.jit(kernel)(*tuple(_d.values())))

</pallas_src>

<mosaic_0001>
#map = affine_map<(d0, d1) -> (0, 0)>
#map1 = affine_map<(d0, d1) -> (0, 0, 0, 0)>
#map2 = affine_map<(d0, d1) -> (0, 0, 0)>
module attributes {stable_mosaic.version = 14 : i64} {
  func.func @_scatter_kernel(%arg0: i32, %arg1: i32, %arg2: memref<20000x128xf32, #tpu.memory_space<hbm>>, %arg3: memref<2x16x80x128xi32, #tpu.memory_space<hbm>>, %arg4: memref<16x80x128xi32, #tpu.memory_space<hbm>>, %arg5: memref<2x10240x128xf32, #tpu.memory_space<hbm>>, %arg6: memref<80x128xi32, #tpu.memory_space<vmem>>, %arg7: memref<80x128xi32, #tpu.memory_space<vmem>>, %arg8: memref<128x128xf32, #tpu.memory_space<vmem>>, %arg9: memref<10240x128xf32, #tpu.memory_space<vmem_shared>>, %arg10: memref<!tpu.dma_semaphore, #tpu.memory_space<semaphore_mem>>) attributes {dimension_semantics = [#tpu.dimension_semantics<core_parallel>, #tpu.dimension_semantics<subcore_parallel>], iteration_bounds = array<i64: 2, 16>, scalar_prefetch = 0 : i64, scratch_operands = 5 : i64, tpu.core_type = #tpu.core_type<sc_vector_subcore>, window_params = [{transform_indices = #map}, {transform_indices = #map1}, {transform_indices = #map2}, {transform_indices = #map2}]} {
    "tpu.region"() ({
      %run_scoped3A = tpu.sem_alloc : memref<!tpu.dma_semaphore, #tpu.memory_space<semaphore_mem>>
      %dma_start3A = arith.constant 0 : i32
      %dma_start3A_22 = arith.constant 0 : i32
      %dma_start3A_23 = tpu.memref_slice %arg3[%arg0, %arg1, %dma_start3A, %dma_start3A_22] : memref<2x16x80x128xi32, #tpu.memory_space<hbm>> -> memref<1x1x80x128xi32, #tpu.memory_space<hbm>>
      %dma_start3A_24 = tpu.memref_squeeze %dma_start3A_23 : memref<1x1x80x128xi32, #tpu.memory_space<hbm>> -> memref<80x128xi32, #tpu.memory_space<hbm>>
      %dma_start3A_25 = arith.constant 0 : i32
      %dma_start3A_26 = arith.constant 0 : i32
      %dma_start3A_27 = tpu.memref_slice %arg3[%arg0, %arg1, %dma_start3A_25, %dma_start3A_26] : memref<2x16x80x128xi32, #tpu.memory_space<hbm>> -> memref<1x1x80x128xi32, #tpu.memory_space<hbm>>
      %dma_start3A_28 = tpu.memref_squeeze %dma_start3A_27 : memref<1x1x80x128xi32, #tpu.memory_space<hbm>> -> memref<80x128xi32, #tpu.memory_space<hbm>>
      tpu.enqueue_dma source(%dma_start3A_28 : memref<80x128xi32, #tpu.memory_space<hbm>>) target(%arg6 : memref<80x128xi32, #tpu.memory_space<vmem>>) target_semaphore(%run_scoped3A : memref<!tpu.dma_semaphore, #tpu.memory_space<semaphore_mem>>)
      %dma_wait3A = arith.constant 0 : i32
      %dma_wait3A_29 = arith.constant 0 : i32
      %dma_wait3A_30 = tpu.memref_slice %arg3[%arg0, %arg1, %dma_wait3A, %dma_wait3A_29] : memref<2x16x80x128xi32, #tpu.memory_space<hbm>> -> memref<1x1x80x128xi32, #tpu.memory_space<hbm>>
      %dma_wait3A_31 = tpu.memref_squeeze %dma_wait3A_30 : memref<1x1x80x128xi32, #tpu.memory_space<hbm>> -> memref<80x128xi32, #tpu.memory_space<hbm>>
      %dma_wait3A_32 = arith.constant 0 : i32
      %dma_wait3A_33 = arith.constant 0 : i32
      %dma_wait3A_34 = tpu.memref_slice %arg3[%arg0, %arg1, %dma_wait3A_32, %dma_wait3A_33] : memref<2x16x80x128xi32, #tpu.memory_space<hbm>> -> memref<1x1x80x128xi32, #tpu.memory_space<hbm>>
      %dma_wait3A_35 = tpu.memref_squeeze %dma_wait3A_34 : memref<1x1x80x128xi32, #tpu.memory_space<hbm>> -> memref<80x128xi32, #tpu.memory_space<hbm>>
      tpu.wait_dma2 semaphore(%run_scoped3A : memref<!tpu.dma_semaphore, #tpu.memory_space<semaphore_mem>>) src(%dma_wait3A_35 : memref<80x128xi32, #tpu.memory_space<hbm>>) dst(%arg6 : memref<80x128xi32, #tpu.memory_space<vmem>>)
      tpu.yield
    }) : () -> ()
    "tpu.region"() ({
      %run_scoped3A = tpu.sem_alloc : memref<!tpu.dma_semaphore, #tpu.memory_space<semaphore_mem>>
      %dma_start3A = arith.constant 0 : i32
      %dma_start3A_22 = arith.constant 0 : i32
      %dma_start3A_23 = tpu.memref_slice %arg4[%arg1, %dma_start3A, %dma_start3A_22] : memref<16x80x128xi32, #tpu.memory_space<hbm>> -> memref<1x80x128xi32, #tpu.memory_space<hbm>>
      %dma_start3A_24 = tpu.memref_squeeze %dma_start3A_23 : memref<1x80x128xi32, #tpu.memory_space<hbm>> -> memref<80x128xi32, #tpu.memory_space<hbm>>
      %dma_start3A_25 = arith.constant 0 : i32
      %dma_start3A_26 = arith.constant 0 : i32
      %dma_start3A_27 = tpu.memref_slice %arg4[%arg1, %dma_start3A_25, %dma_start3A_26] : memref<16x80x128xi32, #tpu.memory_space<hbm>> -> memref<1x80x128xi32, #tpu.memory_space<hbm>>
      %dma_start3A_28 = tpu.memref_squeeze %dma_start3A_27 : memref<1x80x128xi32, #tpu.memory_space<hbm>> -> memref<80x128xi32, #tpu.memory_space<hbm>>
      tpu.enqueue_dma source(%dma_start3A_28 : memref<80x128xi32, #tpu.memory_space<hbm>>) target(%arg7 : memref<80x128xi32, #tpu.memory_space<vmem>>) target_semaphore(%run_scoped3A : memref<!tpu.dma_semaphore, #tpu.memory_space<semaphore_mem>>)
      %dma_wait3A = arith.constant 0 : i32
      %dma_wait3A_29 = arith.constant 0 : i32
      %dma_wait3A_30 = tpu.memref_slice %arg4[%arg1, %dma_wait3A, %dma_wait3A_29] : memref<16x80x128xi32, #tpu.memory_space<hbm>> -> memref<1x80x128xi32, #tpu.memory_space<hbm>>
      %dma_wait3A_31 = tpu.memref_squeeze %dma_wait3A_30 : memref<1x80x128xi32, #tpu.memory_space<hbm>> -> memref<80x128xi32, #tpu.memory_space<hbm>>
      %dma_wait3A_32 = arith.constant 0 : i32
      %dma_wait3A_33 = arith.constant 0 : i32
      %dma_wait3A_34 = tpu.memref_slice %arg4[%arg1, %dma_wait3A_32, %dma_wait3A_33] : memref<16x80x128xi32, #tpu.memory_space<hbm>> -> memref<1x80x128xi32, #tpu.memory_space<hbm>>
      %dma_wait3A_35 = tpu.memref_squeeze %dma_wait3A_34 : memref<1x80x128xi32, #tpu.memory_space<hbm>> -> memref<80x128xi32, #tpu.memory_space<hbm>>
      tpu.wait_dma2 semaphore(%run_scoped3A : memref<!tpu.dma_semaphore, #tpu.memory_space<semaphore_mem>>) src(%dma_wait3A_35 : memref<80x128xi32, #tpu.memory_space<hbm>>) dst(%arg7 : memref<80x128xi32, #tpu.memory_space<vmem>>)
      tpu.yield
    }) : () -> ()
    %broadcast_in_dim3A = arith.constant 0.000000e+00 : f32
    %broadcast_in_dim3A_0 = vector.broadcast %broadcast_in_dim3A : f32 to vector<16xf32>
    %scan3A = arith.constant 0 : i32
    %scan3A_1 = arith.constant 0 : i32
    %scan3A_2 = arith.constant 1024 : i32
    %scan3A_3 = arith.addi %scan3A_1, %scan3A_2 : i32
    %scan3A_4 = arith.constant 1 : i32
    scf.for %scan3A_22 = %scan3A_1 to %scan3A_3 step %scan3A_4  : i32 {
      %shift_right_arithmetic3A = arith.constant 3 : i32
      %shift_right_arithmetic3A_23 = arith.shrsi %scan3A_22, %shift_right_arithmetic3A : i32
      %and3A = arith.constant 7 : i32
      %and3A_24 = arith.andi %scan3A_22, %and3A : i32
      %mul3A_25 = arith.constant 16 : i32
      %mul3A_26 = arith.muli %and3A_24, %mul3A_25 : i32
      %swap3A = arith.index_cast %shift_right_arithmetic3A_23 : i32 to index
      %swap3A_27 = arith.index_cast %mul3A_26 : i32 to index
      %swap3A_28 = tpu.vector_load %arg8[%swap3A, %swap3A_27] {strides = array<i32>} : memref<128x128xf32, #tpu.memory_space<vmem>>, vector<16xf32>,
      tpu.vector_store %arg8[%swap3A, %swap3A_27], %broadcast_in_dim3A_0 {strides = array<i32>} : memref<128x128xf32, #tpu.memory_space<vmem>>, vector<16xf32>,
    }
    %scan3A_5 = arith.constant 1024 : i32
    %scan3A_6 = arith.constant 0 : i32
    %scan3A_7 = arith.constant 0 : i32
    %scan3A_8 = arith.constant 5 : i32
    %scan3A_9 = arith.addi %scan3A_7, %scan3A_8 : i32
    %scan3A_10 = arith.constant 1 : i32
    scf.for %scan3A_22 = %scan3A_7 to %scan3A_9 step %scan3A_10  : i32 {
      %mul3A_23 = arith.constant 640 : i32
      %mul3A_24 = arith.muli %arg1, %mul3A_23 : i32
      %mul3A_25 = arith.constant 128 : i32
      %mul3A_26 = arith.muli %scan3A_22, %mul3A_25 : i32
      %add3A = arith.addi %mul3A_24, %mul3A_26 : i32
      "tpu.region"() ({
        %run_scoped3A = tpu.sem_alloc : memref<!tpu.dma_semaphore, #tpu.memory_space<semaphore_mem>>
        %dma_start3A = arith.constant 0 : i32
        %dma_start3A_27 = tpu.memref_slice %arg9[%add3A, %dma_start3A] : memref<10240x128xf32, #tpu.memory_space<vmem_shared>> -> memref<128x128xf32, #tpu.memory_space<vmem_shared>>
        %dma_start3A_28 = arith.constant 0 : i32
        %dma_start3A_29 = tpu.memref_slice %arg9[%add3A, %dma_start3A_28] : memref<10240x128xf32, #tpu.memory_space<vmem_shared>> -> memref<128x128xf32, #tpu.memory_space<vmem_shared>>
        tpu.enqueue_dma source(%arg8 : memref<128x128xf32, #tpu.memory_space<vmem>>) target(%dma_start3A_29 : memref<128x128xf32, #tpu.memory_space<vmem_shared>>) target_semaphore(%run_scoped3A : memref<!tpu.dma_semaphore, #tpu.memory_space<semaphore_mem>>)
        %dma_wait3A = arith.constant 0 : i32
        %dma_wait3A_30 = tpu.memref_slice %arg9[%add3A, %dma_wait3A] : memref<10240x128xf32, #tpu.memory_space<vmem_shared>> -> memref<128x128xf32, #tpu.memory_space<vmem_shared>>
        %dma_wait3A_31 = arith.constant 0 : i32
        %dma_wait3A_32 = tpu.memref_slice %arg9[%add3A, %dma_wait3A_31] : memref<10240x128xf32, #tpu.memory_space<vmem_shared>> -> memref<128x128xf32, #tpu.memory_space<vmem_shared>>
        tpu.wait_dma2 semaphore(%run_scoped3A : memref<!tpu.dma_semaphore, #tpu.memory_space<semaphore_mem>>) src(%arg8 : memref<128x128xf32, #tpu.memory_space<vmem>>) dst(%dma_wait3A_32 : memref<128x128xf32, #tpu.memory_space<vmem_shared>>)
        tpu.yield
      }) : () -> ()
    }
    %scan3A_11 = arith.constant 5 : i32
    %barrier3A = arith.constant 0 : index
    tpu.barrier barrier_id(%barrier3A)
    %scan3A_12 = arith.constant 0 : i32
    %scan3A_13 = arith.constant 0 : i32
    %scan3A_14 = arith.constant 80 : i32
    %scan3A_15 = arith.addi %scan3A_13, %scan3A_14 : i32
    %scan3A_16 = arith.constant 1 : i32
    scf.for %scan3A_22 = %scan3A_13 to %scan3A_15 step %scan3A_16  : i32 {
      %dma_start3A = arith.constant 0 : i32
      %dma_start3A_23 = tpu.memref_slice %arg6[%scan3A_22, %dma_start3A] : memref<80x128xi32, #tpu.memory_space<vmem>> -> memref<1x128xi32, #tpu.memory_space<vmem>>
      %dma_start3A_24 = tpu.memref_squeeze %dma_start3A_23 : memref<1x128xi32, #tpu.memory_space<vmem>> -> memref<128xi32, #tpu.memory_space<vmem>>
      %dma_start3A_25 = arith.constant 0 : i32
      %dma_start3A_26 = arith.constant 0 : i32
      %dma_start3A_27 = tpu.memref_slice %arg2[%dma_start3A_25, %dma_start3A_26] : memref<20000x128xf32, #tpu.memory_space<hbm>> -> memref<20000x128xf32, #tpu.memory_space<hbm>>
      tpu.enqueue_indirect_dma source(%dma_start3A_27 : memref<20000x128xf32, #tpu.memory_space<hbm>>) target(%arg8 : memref<128x128xf32, #tpu.memory_space<vmem>>) offsets(%dma_start3A_24 : memref<128xi32, #tpu.memory_space<vmem>>) semaphore(%arg10 : memref<!tpu.dma_semaphore, #tpu.memory_space<semaphore_mem>>)
      %dma_wait3A = arith.constant 0 : i32
      %dma_wait3A_28 = tpu.memref_slice %arg6[%scan3A_22, %dma_wait3A] : memref<80x128xi32, #tpu.memory_space<vmem>> -> memref<1x128xi32, #tpu.memory_space<vmem>>
      %dma_wait3A_29 = tpu.memref_squeeze %dma_wait3A_28 : memref<1x128xi32, #tpu.memory_space<vmem>> -> memref<128xi32, #tpu.memory_space<vmem>>
      %dma_wait3A_30 = arith.constant 0 : i32
      %dma_wait3A_31 = arith.constant 0 : i32
      %dma_wait3A_32 = tpu.memref_slice %arg2[%dma_wait3A_30, %dma_wait3A_31] : memref<20000x128xf32, #tpu.memory_space<hbm>> -> memref<20000x128xf32, #tpu.memory_space<hbm>>
      tpu.wait_indirect_dma semaphore(%arg10 : memref<!tpu.dma_semaphore, #tpu.memory_space<semaphore_mem>>) src(%dma_wait3A_32 : memref<20000x128xf32, #tpu.memory_space<hbm>>) dst(%arg8 : memref<128x128xf32, #tpu.memory_space<vmem>>)
      "tpu.region"() ({
        %run_scoped3A = tpu.sem_alloc : memref<!tpu.dma_semaphore, #tpu.memory_space<semaphore_mem>>
        %dma_start3A_33 = arith.constant 0 : i32
        %dma_start3A_34 = tpu.memref_slice %arg7[%scan3A_22, %dma_start3A_33] : memref<80x128xi32, #tpu.memory_space<vmem>> -> memref<1x128xi32, #tpu.memory_space<vmem>>
        %dma_start3A_35 = tpu.memref_squeeze %dma_start3A_34 : memref<1x128xi32, #tpu.memory_space<vmem>> -> memref<128xi32, #tpu.memory_space<vmem>>
        %dma_start3A_36 = arith.constant 0 : i32
        %dma_start3A_37 = arith.constant 0 : i32
        %dma_start3A_38 = tpu.memref_slice %arg9[%dma_start3A_36, %dma_start3A_37] : memref<10240x128xf32, #tpu.memory_space<vmem_shared>> -> memref<10240x128xf32, #tpu.memory_space<vmem_shared>>
        tpu.enqueue_indirect_dma source(%arg8 : memref<128x128xf32, #tpu.memory_space<vmem>>) target(%dma_start3A_38 : memref<10240x128xf32, #tpu.memory_space<vmem_shared>>) offsets(%dma_start3A_35 : memref<128xi32, #tpu.memory_space<vmem>>) semaphore(%run_scoped3A : memref<!tpu.dma_semaphore, #tpu.memory_space<semaphore_mem>>) {add = true}
        %dma_wait3A_39 = arith.constant 0 : i32
        %dma_wait3A_40 = tpu.memref_slice %arg7[%scan3A_22, %dma_wait3A_39] : memref<80x128xi32, #tpu.memory_space<vmem>> -> memref<1x128xi32, #tpu.memory_space<vmem>>
        %dma_wait3A_41 = tpu.memref_squeeze %dma_wait3A_40 : memref<1x128xi32, #tpu.memory_space<vmem>> -> memref<128xi32, #tpu.memory_space<vmem>>
        %dma_wait3A_42 = arith.constant 0 : i32
        %dma_wait3A_43 = arith.constant 0 : i32
        %dma_wait3A_44 = tpu.memref_slice %arg9[%dma_wait3A_42, %dma_wait3A_43] : memref<10240x128xf32, #tpu.memory_space<vmem_shared>> -> memref<10240x128xf32, #tpu.memory_space<vmem_shared>>
        tpu.wait_indirect_dma semaphore(%run_scoped3A : memref<!tpu.dma_semaphore, #tpu.memory_space<semaphore_mem>>) src(%arg8 : memref<128x128xf32, #tpu.memory_space<vmem>>) dst(%dma_wait3A_44 : memref<10240x128xf32, #tpu.memory_space<vmem_shared>>)
        tpu.yield
      }) : () -> ()
    }
    %scan3A_17 = arith.constant 80 : i32
    %barrier3A_18 = arith.constant 0 : index
    tpu.barrier barrier_id(%barrier3A_18)
    %mul3A = arith.constant 640 : i32
    %mul3A_19 = arith.muli %arg1, %mul3A : i32
    %mul3A_20 = arith.constant 640 : i32
    %mul3A_21 = arith.muli %arg1, %mul3A_20 : i32
    "tpu.region"() ({
      %run_scoped3A = tpu.sem_alloc : memref<!tpu.dma_semaphore, #tpu.memory_space<semaphore_mem>>
      %dma_start3A = arith.constant 0 : i32
      %dma_start3A_22 = tpu.memref_slice %arg5[%arg0, %mul3A_21, %dma_start3A] : memref<2x10240x128xf32, #tpu.memory_space<hbm>> -> memref<1x640x128xf32, #tpu.memory_space<hbm>>
      %dma_start3A_23 = tpu.memref_squeeze %dma_start3A_22 : memref<1x640x128xf32, #tpu.memory_space<hbm>> -> memref<640x128xf32, #tpu.memory_space<hbm>>
      %dma_start3A_24 = arith.constant 0 : i32
      %dma_start3A_25 = tpu.memref_slice %arg9[%mul3A_19, %dma_start3A_24] : memref<10240x128xf32, #tpu.memory_space<vmem_shared>> -> memref<640x128xf32, #tpu.memory_space<vmem_shared>>
      tpu.enqueue_dma source(%dma_start3A_25 : memref<640x128xf32, #tpu.memory_space<vmem_shared>>) target(%dma_start3A_23 : memref<640x128xf32, #tpu.memory_space<hbm>>) target_semaphore(%run_scoped3A : memref<!tpu.dma_semaphore, #tpu.memory_space<semaphore_mem>>)
      %dma_wait3A = arith.constant 0 : i32
      %dma_wait3A_26 = tpu.memref_slice %arg5[%arg0, %mul3A_21, %dma_wait3A] : memref<2x10240x128xf32, #tpu.memory_space<hbm>> -> memref<1x640x128xf32, #tpu.memory_space<hbm>>
      %dma_wait3A_27 = tpu.memref_squeeze %dma_wait3A_26 : memref<1x640x128xf32, #tpu.memory_space<hbm>> -> memref<640x128xf32, #tpu.memory_space<hbm>>
      %dma_wait3A_28 = arith.constant 0 : i32
      %dma_wait3A_29 = tpu.memref_slice %arg9[%mul3A_19, %dma_wait3A_28] : memref<10240x128xf32, #tpu.memory_space<vmem_shared>> -> memref<640x128xf32, #tpu.memory_space<vmem_shared>>
      tpu.wait_dma2 semaphore(%run_scoped3A : memref<!tpu.dma_semaphore, #tpu.memory_space<semaphore_mem>>) src(%dma_wait3A_29 : memref<640x128xf32, #tpu.memory_space<vmem_shared>>) dst(%dma_wait3A_27 : memref<640x128xf32, #tpu.memory_space<hbm>>)
      tpu.yield
    }) : () -> ()
    return
  }
}

#map = affine_map<(d0, d1) -> (0)>
module attributes {stable_mosaic.version = 14 : i64} {
  func.func @_deg_kernel(%arg0: i32, %arg1: i32, %arg2: memref<163840xi32, #tpu.memory_space<hbm>>, %arg3: memref<10240xf32, #tpu.memory_space<hbm>>, %arg4: memref<10240xi32, #tpu.memory_space<vmem>>, %arg5: memref<10240xf32, #tpu.memory_space<vmem>>, %arg6: memref<640xf32, #tpu.memory_space<vmem>>, %arg7: memref<640xf32, #tpu.memory_space<vmem>>, %arg8: memref<16x10240xf32, #tpu.memory_space<vmem_shared>>) attributes {dimension_semantics = [#tpu.dimension_semantics<core_parallel>, #tpu.dimension_semantics<subcore_parallel>], iteration_bounds = array<i64: 2, 16>, scalar_prefetch = 0 : i64, scratch_operands = 5 : i64, tpu.core_type = #tpu.core_type<sc_vector_subcore>, window_params = [{transform_indices = #map}, {transform_indices = #map}]} {
    %eq3A = arith.constant 0 : i32
    %eq3A_0 = arith.cmpi eq, %arg0, %eq3A : i32
    %convert_element_type3A = arith.extui %eq3A_0 : i1 to i32
    %cond3A = arith.constant 0 : i32
    %cond3A_1 = arith.cmpi ne, %convert_element_type3A, %cond3A : i32
    scf.if %cond3A_1 {
      %broadcast_in_dim3A = arith.constant 0.000000e+00 : f32
      %broadcast_in_dim3A_2 = vector.broadcast %broadcast_in_dim3A : f32 to vector<16xf32>
      %broadcast_in_dim3A_3 = arith.constant 1.000000e+00 : f32
      %broadcast_in_dim3A_4 = vector.broadcast %broadcast_in_dim3A_3 : f32 to vector<16xf32>
      %scan3A = arith.constant 0 : i32
      %scan3A_5 = arith.constant 0 : i32
      %scan3A_6 = arith.constant 640 : i32
      %scan3A_7 = arith.addi %scan3A_5, %scan3A_6 : i32
      %scan3A_8 = arith.constant 1 : i32
      scf.for %scan3A_31 = %scan3A_5 to %scan3A_7 step %scan3A_8  : i32 {
        %mul3A_32 = arith.constant 16 : i32
        %mul3A_33 = arith.muli %scan3A_31, %mul3A_32 : i32
        %swap3A = arith.index_cast %mul3A_33 : i32 to index
        %swap3A_34 = tpu.vector_load %arg5[%swap3A] {strides = array<i32>} : memref<10240xf32, #tpu.memory_space<vmem>>, vector<16xf32>,
        tpu.vector_store %arg5[%swap3A], %broadcast_in_dim3A_2 {strides = array<i32>} : memref<10240xf32, #tpu.memory_space<vmem>>, vector<16xf32>,
      }
      %scan3A_9 = arith.constant 640 : i32
      %mul3A = arith.constant 10240 : i32
      %mul3A_10 = arith.muli %arg1, %mul3A : i32
      "tpu.region"() ({
        %run_scoped3A = tpu.sem_alloc : memref<!tpu.dma_semaphore, #tpu.memory_space<semaphore_mem>>
        %dma_start3A = tpu.memref_slice %arg2[%mul3A_10] : memref<163840xi32, #tpu.memory_space<hbm>> -> memref<10240xi32, #tpu.memory_space<hbm>>
        %dma_start3A_31 = tpu.memref_slice %arg2[%mul3A_10] : memref<163840xi32, #tpu.memory_space<hbm>> -> memref<10240xi32, #tpu.memory_space<hbm>>
        tpu.enqueue_dma source(%dma_start3A_31 : memref<10240xi32, #tpu.memory_space<hbm>>) target(%arg4 : memref<10240xi32, #tpu.memory_space<vmem>>) target_semaphore(%run_scoped3A : memref<!tpu.dma_semaphore, #tpu.memory_space<semaphore_mem>>)
        %dma_wait3A = tpu.memref_slice %arg2[%mul3A_10] : memref<163840xi32, #tpu.memory_space<hbm>> -> memref<10240xi32, #tpu.memory_space<hbm>>
        %dma_wait3A_32 = tpu.memref_slice %arg2[%mul3A_10] : memref<163840xi32, #tpu.memory_space<hbm>> -> memref<10240xi32, #tpu.memory_space<hbm>>
        tpu.wait_dma2 semaphore(%run_scoped3A : memref<!tpu.dma_semaphore, #tpu.memory_space<semaphore_mem>>) src(%dma_wait3A_32 : memref<10240xi32, #tpu.memory_space<hbm>>) dst(%arg4 : memref<10240xi32, #tpu.memory_space<vmem>>)
        tpu.yield
      }) : () -> ()
      %scan3A_11 = arith.constant 0 : i32
      %scan3A_12 = arith.constant 0 : i32
      %scan3A_13 = arith.constant 640 : i32
      %scan3A_14 = arith.addi %scan3A_12, %scan3A_13 : i32
      %scan3A_15 = arith.constant 1 : i32
      scf.for %scan3A_31 = %scan3A_12 to %scan3A_14 step %scan3A_15  : i32 {
        %mul3A_32 = arith.constant 16 : i32
        %mul3A_33 = arith.muli %scan3A_31, %mul3A_32 : i32
        %get3A = arith.index_cast %mul3A_33 : i32 to index
        %get3A_34 = tpu.vector_load %arg4[%get3A] {strides = array<i32>} : memref<10240xi32, #tpu.memory_space<vmem>>, vector<16xi32>,
        tpu.vector_store_idx %arg5[%get3A_34], %broadcast_in_dim3A_4 {add = true} : memref<10240xf32, #tpu.memory_space<vmem>>[vector<16xi32>], vector<16xf32>,
      }
      %scan3A_16 = arith.constant 640 : i32
      "tpu.region"() ({
        %run_scoped3A = tpu.sem_alloc : memref<!tpu.dma_semaphore, #tpu.memory_space<semaphore_mem>>
        %dma_start3A = arith.constant 0 : i32
        %dma_start3A_31 = tpu.memref_slice %arg8[%arg1, %dma_start3A] : memref<16x10240xf32, #tpu.memory_space<vmem_shared>> -> memref<1x10240xf32, #tpu.memory_space<vmem_shared>>
        %dma_start3A_32 = tpu.memref_squeeze %dma_start3A_31 : memref<1x10240xf32, #tpu.memory_space<vmem_shared>> -> memref<10240xf32, #tpu.memory_space<vmem_shared>>
        %dma_start3A_33 = arith.constant 0 : i32
        %dma_start3A_34 = tpu.memref_slice %arg8[%arg1, %dma_start3A_33] : memref<16x10240xf32, #tpu.memory_space<vmem_shared>> -> memref<1x10240xf32, #tpu.memory_space<vmem_shared>>
        %dma_start3A_35 = tpu.memref_squeeze %dma_start3A_34 : memref<1x10240xf32, #tpu.memory_space<vmem_shared>> -> memref<10240xf32, #tpu.memory_space<vmem_shared>>
        tpu.enqueue_dma source(%arg5 : memref<10240xf32, #tpu.memory_space<vmem>>) target(%dma_start3A_35 : memref<10240xf32, #tpu.memory_space<vmem_shared>>) target_semaphore(%run_scoped3A : memref<!tpu.dma_semaphore, #tpu.memory_space<semaphore_mem>>)
        %dma_wait3A = arith.constant 0 : i32
        %dma_wait3A_36 = tpu.memref_slice %arg8[%arg1, %dma_wait3A] : memref<16x10240xf32, #tpu.memory_space<vmem_shared>> -> memref<1x10240xf32, #tpu.memory_space<vmem_shared>>
        %dma_wait3A_37 = tpu.memref_squeeze %dma_wait3A_36 : memref<1x10240xf32, #tpu.memory_space<vmem_shared>> -> memref<10240xf32, #tpu.memory_space<vmem_shared>>
        %dma_wait3A_38 = arith.constant 0 : i32
        %dma_wait3A_39 = tpu.memref_slice %arg8[%arg1, %dma_wait3A_38] : memref<16x10240xf32, #tpu.memory_space<vmem_shared>> -> memref<1x10240xf32, #tpu.memory_space<vmem_shared>>
        %dma_wait3A_40 = tpu.memref_squeeze %dma_wait3A_39 : memref<1x10240xf32, #tpu.memory_space<vmem_shared>> -> memref<10240xf32, #tpu.memory_space<vmem_shared>>
        tpu.wait_dma2 semaphore(%run_scoped3A : memref<!tpu.dma_semaphore, #tpu.memory_space<semaphore_mem>>) src(%arg5 : memref<10240xf32, #tpu.memory_space<vmem>>) dst(%dma_wait3A_40 : memref<10240xf32, #tpu.memory_space<vmem_shared>>)
        tpu.yield
      }) : () -> ()
      %barrier3A = arith.constant 0 : index
      tpu.barrier barrier_id(%barrier3A)
      %mul3A_17 = arith.constant 640 : i32
      %mul3A_18 = arith.muli %arg1, %mul3A_17 : i32
      %scan3A_19 = arith.constant 0 : i32
      %scan3A_20 = arith.constant 0 : i32
      %scan3A_21 = arith.constant 40 : i32
      %scan3A_22 = arith.addi %scan3A_20, %scan3A_21 : i32
      %scan3A_23 = arith.constant 1 : i32
      scf.for %scan3A_31 = %scan3A_20 to %scan3A_22 step %scan3A_23  : i32 {
        %mul3A_32 = arith.constant 16 : i32
        %mul3A_33 = arith.muli %scan3A_31, %mul3A_32 : i32
        %swap3A = arith.index_cast %mul3A_33 : i32 to index
        %swap3A_34 = tpu.vector_load %arg7[%swap3A] {strides = array<i32>} : memref<640xf32, #tpu.memory_space<vmem>>, vector<16xf32>,
        tpu.vector_store %arg7[%swap3A], %broadcast_in_dim3A_4 {strides = array<i32>} : memref<640xf32, #tpu.memory_space<vmem>>, vector<16xf32>,
      }
      %scan3A_24 = arith.constant 40 : i32
      %scan3A_25 = arith.constant 0 : i32
      %scan3A_26 = arith.constant 0 : i32
      %scan3A_27 = arith.constant 16 : i32
      %scan3A_28 = arith.addi %scan3A_26, %scan3A_27 : i32
      %scan3A_29 = arith.constant 1 : i32
      scf.for %scan3A_31 = %scan3A_26 to %scan3A_28 step %scan3A_29  : i32 {
        "tpu.region"() ({
          %run_scoped3A = tpu.sem_alloc : memref<!tpu.dma_semaphore, #tpu.memory_space<semaphore_mem>>
          %dma_start3A = tpu.memref_slice %arg8[%scan3A_31, %mul3A_18] : memref<16x10240xf32, #tpu.memory_space<vmem_shared>> -> memref<1x640xf32, #tpu.memory_space<vmem_shared>>
          %dma_start3A_38 = tpu.memref_squeeze %dma_start3A : memref<1x640xf32, #tpu.memory_space<vmem_shared>> -> memref<640xf32, #tpu.memory_space<vmem_shared>>
          %dma_start3A_39 = tpu.memref_slice %arg8[%scan3A_31, %mul3A_18] : memref<16x10240xf32, #tpu.memory_space<vmem_shared>> -> memref<1x640xf32, #tpu.memory_space<vmem_shared>>
          %dma_start3A_40 = tpu.memref_squeeze %dma_start3A_39 : memref<1x640xf32, #tpu.memory_space<vmem_shared>> -> memref<640xf32, #tpu.memory_space<vmem_shared>>
          tpu.enqueue_dma source(%dma_start3A_40 : memref<640xf32, #tpu.memory_space<vmem_shared>>) target(%arg6 : memref<640xf32, #tpu.memory_space<vmem>>) target_semaphore(%run_scoped3A : memref<!tpu.dma_semaphore, #tpu.memory_space<semaphore_mem>>)
          %dma_wait3A = tpu.memref_slice %arg8[%scan3A_31, %mul3A_18] : memref<16x10240xf32, #tpu.memory_space<vmem_shared>> -> memref<1x640xf32, #tpu.memory_space<vmem_shared>>
          %dma_wait3A_41 = tpu.memref_squeeze %dma_wait3A : memref<1x640xf32, #tpu.memory_space<vmem_shared>> -> memref<640xf32, #tpu.memory_space<vmem_shared>>
          %dma_wait3A_42 = tpu.memref_slice %arg8[%scan3A_31, %mul3A_18] : memref<16x10240xf32, #tpu.memory_space<vmem_shared>> -> memref<1x640xf32, #tpu.memory_space<vmem_shared>>
          %dma_wait3A_43 = tpu.memref_squeeze %dma_wait3A_42 : memref<1x640xf32, #tpu.memory_space<vmem_shared>> -> memref<640xf32, #tpu.memory_space<vmem_shared>>
          tpu.wait_dma2 semaphore(%run_scoped3A : memref<!tpu.dma_semaphore, #tpu.memory_space<semaphore_mem>>) src(%dma_wait3A_43 : memref<640xf32, #tpu.memory_space<vmem_shared>>) dst(%arg6 : memref<640xf32, #tpu.memory_space<vmem>>)
          tpu.yield
        }) : () -> ()
        %scan3A_32 = arith.constant 0 : i32
        %scan3A_33 = arith.constant 0 : i32
        %scan3A_34 = arith.constant 40 : i32
        %scan3A_35 = arith.addi %scan3A_33, %scan3A_34 : i32
        %scan3A_36 = arith.constant 1 : i32
        scf.for %scan3A_38 = %scan3A_33 to %scan3A_35 step %scan3A_36  : i32 {
          %mul3A_39 = arith.constant 16 : i32
          %mul3A_40 = arith.muli %scan3A_38, %mul3A_39 : i32
          %get3A = arith.index_cast %mul3A_40 : i32 to index
          %get3A_41 = tpu.vector_load %arg7[%get3A] {strides = array<i32>} : memref<640xf32, #tpu.memory_space<vmem>>, vector<16xf32>,
          %mul3A_42 = arith.constant 16 : i32
          %mul3A_43 = arith.muli %scan3A_38, %mul3A_42 : i32
          %get3A_44 = arith.index_cast %mul3A_43 : i32 to index
          %get3A_45 = tpu.vector_load %arg6[%get3A_44] {strides = array<i32>} : memref<640xf32, #tpu.memory_space<vmem>>, vector<16xf32>,
          %add3A = arith.addf %get3A_41, %get3A_45 : vector<16xf32>
          %mul3A_46 = arith.constant 16 : i32
          %mul3A_47 = arith.muli %scan3A_38, %mul3A_46 : i32
          %swap3A = arith.index_cast %mul3A_47 : i32 to index
          %swap3A_48 = tpu.vector_load %arg7[%swap3A] {strides = array<i32>} : memref<640xf32, #tpu.memory_space<vmem>>, vector<16xf32>,
          tpu.vector_store %arg7[%swap3A], %add3A {strides = array<i32>} : memref<640xf32, #tpu.memory_space<vmem>>, vector<16xf32>,
        }
        %scan3A_37 = arith.constant 40 : i32
      }
      %scan3A_30 = arith.constant 16 : i32
      "tpu.region"() ({
        %run_scoped3A = tpu.sem_alloc : memref<!tpu.dma_semaphore, #tpu.memory_space<semaphore_mem>>
        %dma_start3A = tpu.memref_slice %arg3[%mul3A_18] : memref<10240xf32, #tpu.memory_space<hbm>> -> memref<640xf32, #tpu.memory_space<hbm>>
        %dma_start3A_31 = tpu.memref_slice %arg3[%mul3A_18] : memref<10240xf32, #tpu.memory_space<hbm>> -> memref<640xf32, #tpu.memory_space<hbm>>
        tpu.enqueue_dma source(%arg7 : memref<640xf32, #tpu.memory_space<vmem>>) target(%dma_start3A_31 : memref<640xf32, #tpu.memory_space<hbm>>) target_semaphore(%run_scoped3A : memref<!tpu.dma_semaphore, #tpu.memory_space<semaphore_mem>>)
        %dma_wait3A = tpu.memref_slice %arg3[%mul3A_18] : memref<10240xf32, #tpu.memory_space<hbm>> -> memref<640xf32, #tpu.memory_space<hbm>>
        %dma_wait3A_32 = tpu.memref_slice %arg3[%mul3A_18] : memref<10240xf32, #tpu.memory_space<hbm>> -> memref<640xf32, #tpu.memory_space<hbm>>
        tpu.wait_dma2 semaphore(%run_scoped3A : memref<!tpu.dma_semaphore, #tpu.memory_space<semaphore_mem>>) src(%arg7 : memref<640xf32, #tpu.memory_space<vmem>>) dst(%dma_wait3A_32 : memref<640xf32, #tpu.memory_space<hbm>>)
        tpu.yield
      }) : () -> ()
    } else {
    }
    return
  }
}

module attributes {stable_mosaic.version = 14 : i64} {
  func.func @_mm_scale_body(%arg0: i32, %arg1: memref<400x256xf32, #tpu.memory_space<vmem>>, %arg2: memref<256x256xf32, #tpu.memory_space<vmem>>, %arg3: memref<1x1x400xf32, #tpu.memory_space<vmem>>, %arg4: memref<2x400x128xf32, #tpu.memory_space<vmem>>) attributes {dimension_semantics = [#tpu.dimension_semantics<arbitrary>], iteration_bounds = array<i64: 25>, scalar_prefetch = 0 : i64, scratch_operands = 0 : i64, tpu.core_type = #tpu.core_type<tc>, window_params = [{transform_indices = @transform_0, window_bounds = array<i64: 400, 256>}, {pipeline_mode = #tpu.pipeline_mode<synchronous>, transform_indices = @transform_1, window_bounds = array<i64: 256, 256>}, {transform_indices = @transform_2, window_bounds = array<i64: 1, 1, 400>}, {transform_indices = @transform_3, window_bounds = array<i64: 2, 400, 128>}]} {
    %get3A = arith.constant 0 : index
    %get3A_0 = arith.constant 0 : index
    %get3A_1 = vector.load %arg1[%get3A, %get3A_0] : memref<400x256xf32, #tpu.memory_space<vmem>>, vector<400x256xf32>
    %get3A_2 = arith.constant 0 : index
    %get3A_3 = arith.constant 0 : index
    %get3A_4 = vector.load %arg2[%get3A_2, %get3A_3] : memref<256x256xf32, #tpu.memory_space<vmem>>, vector<256x256xf32>
    %dot_general3A = arith.constant dense<0.000000e+00> : vector<400x256xf32>
    %dot_general3A_5 = tpu.matmul %get3A_1, %get3A_4, %dot_general3A {dimension_numbers = #tpu.dot_dimension_numbers<[1], [0], [0], [1], [0, 0, 1, 1], [], []>, transpose_lhs_hint = false} : vector<400x256xf32>, vector<256x256xf32>, vector<400x256xf32> -> vector<400x256xf32>
    %get3A_6 = arith.constant 0 : index
    %get3A_7 = arith.constant 0 : index
    %get3A_8 = arith.constant 0 : index
    %get3A_9 = vector.load %arg3[%get3A_6, %get3A_7, %get3A_8] : memref<1x1x400xf32, #tpu.memory_space<vmem>>, vector<1x1x400xf32>
    %get3A_10 = vector.shape_cast %get3A_9 : vector<1x1x400xf32> to vector<400xf32>
    %rsqrt3A = math.rsqrt %get3A_10 : vector<400xf32>
    %broadcast_in_dim3A = vector.shape_cast %rsqrt3A : vector<400xf32> to vector<400x1xf32>
    %mul3A = vector.broadcast %broadcast_in_dim3A : vector<400x1xf32> to vector<400x256xf32>
    %mul3A_11 = arith.mulf %dot_general3A_5, %mul3A : vector<400x256xf32>
    %slice3A = vector.extract_strided_slice %mul3A_11 {offsets = [0, 0], sizes = [400, 128], strides = [1, 1]} : vector<400x256xf32> to vector<400x128xf32>
    %swap3A = arith.constant 0 : index
    %swap3A_12 = arith.constant 0 : index
    %swap3A_13 = arith.constant 0 : index
    %swap3A_14 = vector.load %arg4[%swap3A, %swap3A_12, %swap3A_13] : memref<2x400x128xf32, #tpu.memory_space<vmem>>, vector<1x400x128xf32>
    %swap3A_15 = vector.shape_cast %swap3A_14 : vector<1x400x128xf32> to vector<400x128xf32>
    %swap3A_16 = vector.shape_cast %slice3A : vector<400x128xf32> to vector<1x400x128xf32>
    tpu.vector_store %arg4[%swap3A, %swap3A_12, %swap3A_13], %swap3A_16 {strides = array<i32>} : memref<2x400x128xf32, #tpu.memory_space<vmem>>, vector<1x400x128xf32>,
    %slice3A_17 = vector.extract_strided_slice %mul3A_11 {offsets = [0, 128], sizes = [400, 128], strides = [1, 1]} : vector<400x256xf32> to vector<400x128xf32>
    %swap3A_18 = arith.constant 1 : index
    %swap3A_19 = arith.constant 0 : index
    %swap3A_20 = arith.constant 0 : index
    %swap3A_21 = vector.load %arg4[%swap3A_18, %swap3A_19, %swap3A_20] : memref<2x400x128xf32, #tpu.memory_space<vmem>>, vector<1x400x128xf32>
    %swap3A_22 = vector.shape_cast %swap3A_21 : vector<1x400x128xf32> to vector<400x128xf32>
    %swap3A_23 = vector.shape_cast %slice3A_17 : vector<400x128xf32> to vector<1x400x128xf32>
    tpu.vector_store %arg4[%swap3A_18, %swap3A_19, %swap3A_20], %swap3A_23 {strides = array<i32>} : memref<2x400x128xf32, #tpu.memory_space<vmem>>, vector<1x400x128xf32>,
    return
  }
  func.func @transform_0(%arg0: i32) -> (i32, i32) {
    %c0_i32 = arith.constant 0 : i32
    %c0_i32_0 = arith.constant 0 : i32
    return %arg0, %c0_i32 : i32, i32
  }
  func.func @transform_1(%arg0: i32) -> (i32, i32) {
    %c0_i32 = arith.constant 0 : i32
    %c0_i32_0 = arith.constant 0 : i32
    %c0_i32_1 = arith.constant 0 : i32
    return %c0_i32, %c0_i32_0 : i32, i32
  }
  func.func @transform_2(%arg0: i32) -> (i32, i32, i32) {
    %c0_i32 = arith.constant 0 : i32
    %c0_i32_0 = arith.constant 0 : i32
    %c0_i32_1 = arith.constant 0 : i32
    return %arg0, %c0_i32, %c0_i32_0 : i32, i32, i32
  }
  func.func @transform_3(%arg0: i32) -> (i32, i32, i32) {
    %c0_i32 = arith.constant 0 : i32
    %c0_i32_0 = arith.constant 0 : i32
    %c0_i32_1 = arith.constant 0 : i32
    return %c0_i32, %arg0, %c0_i32_0 : i32, i32, i32
  }
}

module attributes {stable_mosaic.version = 14 : i64} {
  func.func @_final_body(%arg0: i32, %arg1: memref<2x400x128xf32, #tpu.memory_space<vmem>>, %arg2: memref<2x400x128xf32, #tpu.memory_space<vmem>>, %arg3: memref<1x1x400xf32, #tpu.memory_space<vmem>>, %arg4: memref<1x256xf32, #tpu.memory_space<vmem>>, %arg5: memref<256x256xf32, #tpu.memory_space<vmem>>, %arg6: memref<1x256xf32, #tpu.memory_space<vmem>>, %arg7: memref<400x256xf32, #tpu.memory_space<vmem>>) attributes {dimension_semantics = [#tpu.dimension_semantics<arbitrary>], iteration_bounds = array<i64: 25>, scalar_prefetch = 0 : i64, scratch_operands = 0 : i64, tpu.core_type = #tpu.core_type<tc>, window_params = [{transform_indices = @transform_0, window_bounds = array<i64: 2, 400, 128>}, {transform_indices = @transform_1, window_bounds = array<i64: 2, 400, 128>}, {transform_indices = @transform_2, window_bounds = array<i64: 1, 1, 400>}, {pipeline_mode = #tpu.pipeline_mode<synchronous>, transform_indices = @transform_3, window_bounds = array<i64: 1, 256>}, {pipeline_mode = #tpu.pipeline_mode<synchronous>, transform_indices = @transform_4, window_bounds = array<i64: 256, 256>}, {pipeline_mode = #tpu.pipeline_mode<synchronous>, transform_indices = @transform_5, window_bounds = array<i64: 1, 256>}, {transform_indices = @transform_6, window_bounds = array<i64: 400, 256>}]} {
    %get3A = arith.constant 0 : index
    %get3A_0 = arith.constant 0 : index
    %get3A_1 = arith.constant 0 : index
    %get3A_2 = vector.load %arg1[%get3A, %get3A_0, %get3A_1] : memref<2x400x128xf32, #tpu.memory_space<vmem>>, vector<1x400x128xf32>
    %get3A_3 = vector.shape_cast %get3A_2 : vector<1x400x128xf32> to vector<400x128xf32>
    %get3A_4 = arith.constant 1 : index
    %get3A_5 = arith.constant 0 : index
    %get3A_6 = arith.constant 0 : index
    %get3A_7 = vector.load %arg1[%get3A_4, %get3A_5, %get3A_6] : memref<2x400x128xf32, #tpu.memory_space<vmem>>, vector<1x400x128xf32>
    %get3A_8 = vector.shape_cast %get3A_7 : vector<1x400x128xf32> to vector<400x128xf32>
    %concatenate3A = tpu.concatenate %get3A_3, %get3A_8 in 1 : vector<400x128xf32>, vector<400x128xf32> -> vector<400x256xf32>
    %get3A_9 = arith.constant 0 : index
    %get3A_10 = arith.constant 0 : index
    %get3A_11 = arith.constant 0 : index
    %get3A_12 = vector.load %arg2[%get3A_9, %get3A_10, %get3A_11] : memref<2x400x128xf32, #tpu.memory_space<vmem>>, vector<1x400x128xf32>
    %get3A_13 = vector.shape_cast %get3A_12 : vector<1x400x128xf32> to vector<400x128xf32>
    %get3A_14 = arith.constant 1 : index
    %get3A_15 = arith.constant 0 : index
    %get3A_16 = arith.constant 0 : index
    %get3A_17 = vector.load %arg2[%get3A_14, %get3A_15, %get3A_16] : memref<2x400x128xf32, #tpu.memory_space<vmem>>, vector<1x400x128xf32>
    %get3A_18 = vector.shape_cast %get3A_17 : vector<1x400x128xf32> to vector<400x128xf32>
    %concatenate3A_19 = tpu.concatenate %get3A_13, %get3A_18 in 1 : vector<400x128xf32>, vector<400x128xf32> -> vector<400x256xf32>
    %get3A_20 = arith.constant 0 : index
    %get3A_21 = arith.constant 0 : index
    %get3A_22 = arith.constant 0 : index
    %get3A_23 = vector.load %arg3[%get3A_20, %get3A_21, %get3A_22] : memref<1x1x400xf32, #tpu.memory_space<vmem>>, vector<1x1x400xf32>
    %get3A_24 = vector.shape_cast %get3A_23 : vector<1x1x400xf32> to vector<400xf32>
    %rsqrt3A = math.rsqrt %get3A_24 : vector<400xf32>
    %add3A = arith.addf %concatenate3A, %concatenate3A_19 : vector<400x256xf32>
    %broadcast_in_dim3A = vector.shape_cast %rsqrt3A : vector<400xf32> to vector<400x1xf32>
    %mul3A = vector.broadcast %broadcast_in_dim3A : vector<400x1xf32> to vector<400x256xf32>
    %mul3A_25 = arith.mulf %add3A, %mul3A : vector<400x256xf32>
    %get3A_26 = arith.constant 0 : index
    %get3A_27 = arith.constant 0 : index
    %get3A_28 = vector.load %arg4[%get3A_26, %get3A_27] : memref<1x256xf32, #tpu.memory_space<vmem>>, vector<1x256xf32>
    %add3A_29 = vector.broadcast %get3A_28 : vector<1x256xf32> to vector<400x256xf32>
    %add3A_30 = arith.addf %mul3A_25, %add3A_29 : vector<400x256xf32>
    %get3A_31 = arith.constant 0 : index
    %get3A_32 = arith.constant 0 : index
    %get3A_33 = vector.load %arg5[%get3A_31, %get3A_32] : memref<256x256xf32, #tpu.memory_space<vmem>>, vector<256x256xf32>
    %dot_general3A = arith.constant dense<0.000000e+00> : vector<400x256xf32>
    %dot_general3A_34 = tpu.matmul %add3A_30, %get3A_33, %dot_general3A {dimension_numbers = #tpu.dot_dimension_numbers<[1], [0], [0], [1], [0, 0, 1, 1], [], []>, transpose_lhs_hint = false} : vector<400x256xf32>, vector<256x256xf32>, vector<400x256xf32> -> vector<400x256xf32>
    %get3A_35 = arith.constant 0 : index
    %get3A_36 = arith.constant 0 : index
    %get3A_37 = vector.load %arg6[%get3A_35, %get3A_36] : memref<1x256xf32, #tpu.memory_space<vmem>>, vector<1x256xf32>
    %add3A_38 = vector.broadcast %get3A_37 : vector<1x256xf32> to vector<400x256xf32>
    %add3A_39 = arith.addf %dot_general3A_34, %add3A_38 : vector<400x256xf32>
    %max3A = arith.constant 0.000000e+00 : f32
    %max3A_40 = vector.broadcast %max3A : f32 to vector<400x256xf32>
    %max3A_41 = arith.maximumf %add3A_39, %max3A_40 : vector<400x256xf32>
    %swap3A = arith.constant 0 : index
    %swap3A_42 = arith.constant 0 : index
    %swap3A_43 = vector.load %arg7[%swap3A, %swap3A_42] : memref<400x256xf32, #tpu.memory_space<vmem>>, vector<400x256xf32>
    tpu.vector_store %arg7[%swap3A, %swap3A_42], %max3A_41 {strides = array<i32>} : memref<400x256xf32, #tpu.memory_space<vmem>>, vector<400x256xf32>,
    return
  }
  func.func @transform_0(%arg0: i32) -> (i32, i32, i32) {
    %c0_i32 = arith.constant 0 : i32
    %c0_i32_0 = arith.constant 0 : i32
    %c0_i32_1 = arith.constant 0 : i32
    return %c0_i32, %arg0, %c0_i32_0 : i32, i32, i32
  }
  func.func @transform_1(%arg0: i32) -> (i32, i32, i32) {
    %c0_i32 = arith.constant 0 : i32
    %c0_i32_0 = arith.constant 0 : i32
    %c0_i32_1 = arith.constant 0 : i32
    return %c0_i32, %arg0, %c0_i32_0 : i32, i32, i32
  }
  func.func @transform_2(%arg0: i32) -> (i32, i32, i32) {
    %c0_i32 = arith.constant 0 : i32
    %c0_i32_0 = arith.constant 0 : i32
    %c0_i32_1 = arith.constant 0 : i32
    return %arg0, %c0_i32, %c0_i32_0 : i32, i32, i32
  }
  func.func @transform_3(%arg0: i32) -> (i32, i32) {
    %c0_i32 = arith.constant 0 : i32
    %c0_i32_0 = arith.constant 0 : i32
    %c0_i32_1 = arith.constant 0 : i32
    return %c0_i32, %c0_i32_0 : i32, i32
  }
  func.func @transform_4(%arg0: i32) -> (i32, i32) {
    %c0_i32 = arith.constant 0 : i32
    %c0_i32_0 = arith.constant 0 : i32
    %c0_i32_1 = arith.constant 0 : i32
    return %c0_i32, %c0_i32_0 : i32, i32
  }
  func.func @transform_5(%arg0: i32) -> (i32, i32) {
    %c0_i32 = arith.constant 0 : i32
    %c0_i32_0 = arith.constant 0 : i32
    %c0_i32_1 = arith.constant 0 : i32
    return %c0_i32, %c0_i32_0 : i32, i32
  }
  func.func @transform_6(%arg0: i32) -> (i32, i32) {
    %c0_i32 = arith.constant 0 : i32
    %c0_i32_0 = arith.constant 0 : i32
    return %arg0, %c0_i32 : i32, i32
  }
}

</mosaic_0001>

<sc_bundles>
// kernel: kernel.6.cloned.1.call-start
scs
__scs_entry_jumppad:
0x0: {  	(pc) =	sbr.rel $0x88, $3  }
0x1: {  	(tag) =	ssettag $0x0;
	lr =	simm.s32 $0x1  }
0x2: {  	[smem:$0x3F9B] =	sst lr;
	_ =	strace $0xD0000000  }
0x3: {  	_ = 	snop  }
0x4: {  	_ = 	snop  }
0x5: {  	_ = 	snop  }
0x6: {  	_ = 	snop  }
0x7: {  	_ = 	snop  }
__scs_overlays_trampoline_lowered:
0x8: {  	[smem:$0x3FAA] =	sst s0  }
0x9: {  	[smem:$0x3FAB] =	sst s1  }
0xa: {  	[smem:$0x3FAC] =	sst s2  }
0xb: {  	[smem:$0x3FAD] =	sst s3  }
0xc: {  	[smem:$0x3FAE] =	sst s4  }
0xd: {  	[smem:$0x3FAF] =	sst s5  }
0xe: {  	[smem:$0x3FB0] =	sst s6  }
0xf: {  	[smem:$0x3FB1] =	sst s7  }
0x10: {  	[smem:$0x3FB2] =	sst s8  }
0x11: {  	[smem:$0x3FB3] =	sst s9;
	s0 =	simm.s32 @!p0 $0x0  }
0x12: {  	s1 =	sld [smem:$0x3F99];
	s0 =	simm.s32 @p0 $0x1  }
0x13: {  	[smem:$0x3FB4] =	sst s0;
	s0 =	simm.s32 @!p1 $0x0  }
0x14: {  	s2 =	sld [smem:$0x3F98];
	s0 =	simm.s32 @p1 $0x1  }
0x15: {  	[smem:$0x3FB5] =	sst s0;
	s0 =	simm.s32 @!p2 $0x0  }
0x16: {  	s3 =	sld [smem:$0x3FDB];
	s0 =	simm.s32 @p2 $0x1  }
0x17: {  	s4 =	simm.s32 $0x1BF5;
	[smem:$0x3FB7] =	sst s0  }
0x18: {  	s0 =	sld [smem:$0x3F9A];
	_ =	swait.ge [sflag:s4], $0x0  }
0x19: {  	s7 =	sld [smem:$0x3F9B]  }
0x1a: {  	s8 =	sadd.s32 $0xFFFFE003, lr  }
0x1b: {  	s9 =	sadd.s32 $0xFFFFFEF7, lr;
	s5 =	simm.s32 $0xFFFFFFFF;
	p2 =	slt.u32 s8, $0xFFFFF086  }
0x1c: {  	p1 =	slt.u32 s9, $0xF7A;
	s5 =	simm.s32 @!p2 $0x0  }
0x1d: {  	s5 =	simm.s32 @p1 $0x1;
	p0 =	seq.s32 s7, s2  }
0x1e: {  	s7 =	smul.u32 @!p0 $0xF7A, s2;
	p2 =	seq.s32 @!p0 s5, $0x0  }
0x1f: {  	s9 =	smul.u32 $0xF7A, s1;
	s8 =	simm.s32 @!p0 $0x1BF5;
	p2 =	por !p2, p0  }
0x20: {  	[sflag:s8] =	ssyncset.s32 @!p0 $0xFFFFF086;
	s6 =	sadd.s32 @!p0 s3, s7;
	s7 =	simm.s32 @!p0 $0x108  }
0x21: {  	s3 =	sadd.s32 s3, s9;
	s6 =	sadd.s32 @!p0 $0x88, s6;
	s7 =	simm.s32 @p2 $0x1082  }
0x22: {  	[simem:s7], [sflag:s8] =	dma.local @!p0 [hbm:s6], $0xF7A  }
0x23: {  	s9 =	sor.u32 $0xD0000000, s2;
	s6 =	simm.s32 $0x108;
	_ =	swait.ge @!p0 [sflag:s8], $0x0  }
0x24: {  	s3 =	sadd.s32 $0x88, s3;
	s6 =	simm.s32 @!p1 $0x1082;
	[sflag:s4] =	ssyncset.s32 $0xFFFFF086  }
0x25: {  	[simem:s6], [sflag:s4] =	dma.local [hbm:s3], $0xF7A  }
0x26: {  	[smem:$0x3F9B] =	sst s1;
	(tag) =	ssettag s2;
	_ =	strace s9  }
0x27: {  	s1 =	sld [smem:$0x3FAB]  }
0x28: {  	s2 =	sld [smem:$0x3FAC]  }
0x29: {  	s4 =	sld [smem:$0x3FAE]  }
0x2a: {  	p0 =	seq.s32 s5, $0x0;
	s5 =	sld [smem:$0x3FAF]  }
0x2b: {  	s6 =	sld [smem:$0x3FB0]  }
0x2c: {  	s7 =	sld [smem:$0x3FB1]  }
0x2d: {  	s3 =	simm.s32 $0x108;
	s8 =	sld [smem:$0x3FB2]  }
0x2e: {  	s3 =	simm.s32 @!p0 $0x1082;
	s9 =	sld [smem:$0x3FB3]  }
0x2f: {  	lr =	sadd.s32 s0, s3;
	s0 =	sld [smem:$0x3FAA]  }
0x30: {  	s3 =	sld [smem:$0x3FAD]  }
0x31: {  	[smem:$0x3FB6] =	sst s10  }
0x32: {  	s10 =	sld [smem:$0x3FB4];
	_ =	sdelay $0x3  }
0x33: {  	p0 =	seq.s32 s10, $0x1;
	s10 =	sld [smem:$0x3FB6];
	_ =	sdelay $0x3  }
0x34: {  	[smem:$0x3FB6] =	sst s10  }
0x35: {  	s10 =	sld [smem:$0x3FB5];
	_ =	sdelay $0x3  }
0x36: {  	p1 =	seq.s32 s10, $0x1;
	s10 =	sld [smem:$0x3FB6];
	_ =	sdelay $0x3  }
0x37: {  	[smem:$0x3FB6] =	sst s10  }
0x38: {  	s10 =	sld [smem:$0x3FB7]  }
0x39: {  	_ = 	snop;
	(pc) =	sbr.ind lr, $3  }
0x3a: {  	_ = 	snop  }
0x3b: {  	_ = 	snop  }
0x3c: {  	p2 =	seq.s32 s10, $0x1;
	s10 =	sld [smem:$0x3FB6]  }
0x3d: {  	_ =	shalt  }
0x3e: {  	_ =	shalt  }
0x3f: {  	_ =	shalt  }
0x40: {  	_ =	shalt  }
0x41: {  	_ =	shalt  }
0x42: {  	_ =	shalt  }
0x43: {  	_ =	shalt  }
0x44: {  	_ =	shalt  }
0x45: {  	_ =	shalt  }
0x46: {  	_ =	shalt  }
0x47: {  	_ =	shalt  }
0x48: {  	_ =	shalt  }
0x49: {  	_ =	shalt  }
0x4a: {  	_ =	shalt  }
0x4b: {  	_ =	shalt  }
0x4c: {  	_ =	shalt  }
0x4d: {  	_ =	shalt  }
0x4e: {  	_ =	shalt  }
0x4f: {  	_ =	shalt  }
0x50: {  	_ =	shalt  }
0x51: {  	_ =	shalt  }
0x52: {  	_ =	shalt  }
0x53: {  	_ =	shalt  }
0x54: {  	_ =	shalt  }
0x55: {  	_ =	shalt  }
0x56: {  	_ =	shalt  }
0x57: {  	_ =	shalt  }
0x58: {  	_ =	shalt  }
0x59: {  	_ =	shalt  }
0x5a: {  	_ =	shalt  }
0x5b: {  	_ =	shalt  }
0x5c: {  	_ =	shalt  }
0x5d: {  	_ =	shalt  }
0x5e: {  	_ =	shalt  }
0x5f: {  	_ =	shalt  }
0x60: {  	_ =	shalt  }
0x61: {  	_ =	shalt  }
0x62: {  	_ =	shalt  }
0x63: {  	_ =	shalt  }
0x64: {  	_ =	shalt  }
0x65: {  	_ =	shalt  }
0x66: {  	_ =	shalt  }
0x67: {  	_ =	shalt  }
0x68: {  	_ =	shalt  }
0x69: {  	_ =	shalt  }
0x6a: {  	_ =	shalt  }
0x6b: {  	_ =	shalt  }
0x6c: {  	_ =	shalt  }
0x6d: {  	_ =	shalt  }
0x6e: {  	_ =	shalt  }
0x6f: {  	_ =	shalt  }
0x70: {  	_ =	shalt  }
0x71: {  	_ =	shalt  }
0x72: {  	_ =	shalt  }
0x73: {  	_ =	shalt  }
0x74: {  	_ =	shalt  }
0x75: {  	_ =	shalt  }
0x76: {  	_ =	shalt  }
0x77: {  	_ =	shalt  }
0x78: {  	_ =	shalt  }
0x79: {  	_ =	shalt  }
0x7a: {  	_ =	shalt  }
0x7b: {  	_ =	shalt  }
0x7c: {  	_ =	shalt  }
0x7d: {  	_ =	shalt  }
0x7e: {  	_ =	shalt  }
0x7f: {  	_ =	shalt  }
0x80: {  	_ =	shalt  }
0x81: {  	_ =	shalt  }
0x82: {  	_ =	shalt  }
0x83: {  	_ =	shalt  }
0x84: {  	_ =	shalt  }
0x85: {  	_ =	shalt  }
0x86: {  	_ =	shalt  }
0x87: {  	_ =	shalt  }
.Lfunc_end0:
.L_simem_size_0:
called_computation_lowered:
.L_overlay_start_0:
0x88: {  	s2 =	sld [smem:$0x3FD9]  }
0x89: {  	s3 =	sld [smem:$0x3FFE];
	_ =	sdelay $0x1  }
0x8a: {  	s1 =	srdreg.scid  }
0x8b: {  	s0 =	sand.u32 $0x1, s1  }
0x8c: {  	s17 =	sshll.u32 s0, $0xA;
	s2 =	sadd.s32 s3, s2  }
0x8d: {  	s2 =	sadd.s32 s2, s17  }
0x8e: {  	[smem:$0x3FC2] =	sst s2  }
0x8f: {  	_ = 	snop  }
0x90: {  	s2 =	sld [smem:$0x3FD0];
	(tm) =	ssettm $0x1  }
0x91: {  	s18 =	sld [smem:$0x3FFB];
	_ =	sdelay $0x3  }
0x92: {  	_ =	strace s18  }
0x93: {  	s3 =	sld [smem:$0x3FFC];
	_ =	sdelay $0x3  }
0x94: {  	_ =	strace s3  }
0x95: {  	s3 =	sld [smem:$0x3FFD];
	_ =	sdelay $0x3  }
0x96: {  	_ =	strace s3  }
0x97: {  	_ =	strace $0x8FFFFFFF  }
0x98: {  	s19 =	sld [smem:$0x3FDB];
	_ =	sdelay $0x1  }
0x99: {  	s4 =	simm.s32 $_scs_section_size  }
0x9a: {  	s5 =	simm.s32 $_size__tile_overlayer_lowered;
	s6 =	simm.s32 $_tile_overlayer_lowered  }
0x9b: {  	s22 =	simm.s32 $0x1BFF;
	s21 =	sshll.u32 s6, $0x1;
	s3 =	sadd.s32 s4, s19  }
0x9c: {  	s7 =	simm.s32 $0x0;
	s20 =	sshll.u32 s5, $0x1;
	s5 =	sadd.s32 s21, s3  }
0x9d: {  	[timem:s7], [sflag:s22] =	dma.local [hbm:s5], s20  }
0x9e: {  	_ =	swait.ge [sflag:s22], s20  }
0x9f: {  	s4 =	ssub.s32 $0x0, s20;
	[sflag:s22] =	ssyncset.done $0x0  }
0xa0: {  	[sflag:s22] =	ssyncadd.s32 s4;
	_ =	sdelay $0x1  }
0xa1: {  	s23 =	simm.s32 $0x1B8B  }
0xa2: {  	_ =	swait.ge [sflag:s23], $0x1  }
0xa3: {  	[sflag:s23] =	ssyncset.done $0x0  }
0xa4: {  	s25 =	simm.s32 $0x1B8E;
	s24 =	sld [smem:$0x3FFE];
	[sflag:s23] =	ssyncadd.s32 $0xFFFFFFFF  }
0xa5: {  	s26 =	simm.s32 $execute0_lowered;
	[smem:$0x3FD2] =	sst s25  }
0xa6: {  	s5 =	sshll.u32 s26, $0x1;
	_ =	strace $0x80000046;
	[dreg:$0x1] =	wrdreg $0xFFFFFFFF  }
0xa7: {  	s28 =	simm.s32 $_size_execute0_lowered;
	s3 =	sadd.s32 s3, s5;
	[dreg:$0x0] =	wrdreg $0x0  }
0xa8: {  	s5 =	sshll.u32 s28, $0x1;
	[dreg:$0x2] =	wrdreg s3  }
0xa9: {  	[dreg:$0x3] =	wrdreg s5  }
0xaa: {  	[dreg:$0x4] =	wrdreg $0xC0  }
0xab: {  	_ =	task [dreg:s7], $0x5FFFF  }
0xac: {  	[dreg:$0x1] =	wrdreg $0xFFFFFFFF  }
0xad: {  	[dreg:$0x0] =	wrdreg $0x60  }
0xae: {  	[dreg:$0x2] =	wrdreg s24  }
0xaf: {  	[dreg:$0x3] =	wrdreg s2  }
0xb0: {  	[dreg:$0x4] =	wrdreg $0x55000  }
0xb1: {  	[dreg:$0x5] =	wrdreg $0x9  }
0xb2: {  	_ =	task.clear_ibuf [dreg:s7], $0x6FFFF;
	_ =	strace $0x90000046  }
0xb3: {  	s29 =	simm.s32 $0x9;
	_ =	strace $0x80000048  }
0xb4: {  	_ =	swait.ge [sflag:s29], $0x1  }
0xb5: {  	[sflag:s29] =	ssyncadd.s32 $0xFFFFFFFF  }
0xb6: {  	_ =	strace $0x90000048  }
0xb7: {  	_ =	sfence  }
0xb8: {  	s30 =	sld [smem:$0x0];
	_ =	sdelay $0x2  }
0xb9: {  	s31 =	sshll.u32 s1, $0xD;
	s1 =	sshrl.u32 s1, $0x2  }
0xba: {  	s3 =	sand.u32 $0x4000, s31;
	s1 =	sadd.s32 s1, s30  }
0xbb: {  	s0 =	sor.u32 s3, s0;
	s1 =	sshll.u32 s1, $0x11  }
0xbc: {  	s0 =	sor.u32 s1, s0  }
0xbd: {  	s0 =	sadd.s32 $0x8F2B, s0  }
0xbe: {  	[sflag:s0] =	ssyncadd.remote.s32 $0x1  }
0xbf: {  	_ =	sfence.sel $0xFFFF  }
0xc0: {  	[dreg:$0x0] =	wrdreg $0xFFFFFFFF;
	(pc) =	sbr.abs _section_cstart, $3  }
0xc1: {  	[dreg:$0x1] =	wrdreg $0xFFFFFFFF  }
0xc2: {  	_ =	task.clear_ibuf [dreg:s7], $0x2FFFF;
	_ =	strace $0x9FFFFFFF  }
0xc3: {  	(tm) =	ssettm $0x7FFFFFFF  }
tec
execute0_lowered:
.L_overlay_start_1:
0x0: {  	(tag) =	ssettag $0x1  }
0x1: {  	s1 =	srdreg.scid  }
0x2: {  	s1 =	sand.u32 $0x1, s1  }
0x3: {  	p0 =	seq.s32 s1, $0x1  }
.Ltmp0:
0x4: {  	s2 =	rddreg [dreg:$0x0];
	(pc) =	sbr.rel @p0 .LBB2_10-.Ltmp0, $4  }
0x5: {  	s4 =	rddreg [dreg:$0x1]  }
0x6: {  	s3 =	rddreg [dreg:$0x2];
	s5 =	simm.s32 $0x0  }
0x7: {  	[smem:$0x7FF] =	sst s5  }
0x8: {  	s0 =	rddreg [dreg:$0x3];
	_ =	strace $0x80000047;
	s1 =	stileid.u32  }
0x9: {  	s7 =	smul.u32 $0x5000, s1  }
0xa: {  	s5 =	sshrl.u32 s1, $0x3;
	s8 =	smul.u32 $0x50, s1  }
0xb: {  	s6 =	sshll.u32 s1, $0x7;
	s5 =	smul.u32 $0x50000, s5  }
0xc: {  	s30 =	smul.u32 $0x500, s1;
	s31 =	sadd.s32 $0x1C00, s2;
	s6 =	sand.u32 $0x380, s6  }
0xd: {  	s29 =	sshrl.u32 s7, $0x2;
	s2 =	sadd.s32 s4, s8;
	s5 =	sshrl.u32 s5, $0x2  }
0xe: {  	s4 =	sadd.s32 s31, s30;
	s7 =	simm.s32 $0x0;
	s5 =	sadd.s32 s5, s3  }
0xf: {  	v0 =	vimm.f32 $0.0e+00;
	s3 =	sadd.s32 s29, s3;
	s6 =	sadd.s32 s6, s5;
	s5 =	simm.s32 $0x40  }
.LBB2_2:
0x10: {  	p0 =	sne.s32 s5, $0x9FC0;
	[tilespmem:s7+$0x2800] =	vst v0;
	s7 =	smov.u32 s5;
	s5 =	sadd.s32 $0x40, s5  }
.Ltmp1:
0x11: {  	(pc) =	sbr.rel @p0 .LBB2_2-.Ltmp1, $2  }
0x12: {  	_ =	sdelay $0x2  }
0x13: {  	s7 =	sshra.s32 s7, $0x2  }
0x14: {  	[tilespmem:s7+$0x2800] =	vst v0;
	s5 =	simm.s32 $0x0;
	s31 =	simm.s32 $0x1  }
0x15: {  	[tilespmem:s5], [sflag:$0x1] =	stream.linear.gather [hbm4b:s4+s5], $0x2800, $0x38;
	[tilespmem:$0x7D00] =	vst v63  }
0x16: {  	_ =	swait.ge [sflag:s31], $0x2800  }
0x17: {  	s7 =	simm.s32 $0x0;
	[sflag:s31] =	ssyncset.done $0x0  }
0x18: {  	v0 =	vimm.f32 $1.000000000e+00;
	s4 =	simm.s32 $0x2800;
	s5 =	simm.s32 $0x40;
	[sflag:s31] =	ssyncadd.s32 $0xFFFFD800  }
.LBB2_4:
0x19: {  	p0 =	sne.s32 s5, $0x9FC0;
	v1 =	vld [tilespmem:s7+$0x0];
	_ =	sdelay $0x3  }
.Ltmp2:
0x1a: {  	(pc) =	sbr.rel @p0 .LBB2_4-.Ltmp2, $2  }
0x1b: {  	_ =	sdelay $0x2  }
0x1c: {  	s7 =	sshra.s32 s5, $0x2;
	s5 =	sadd.s32 $0x40, s5;
	[tilespmem:v1+s4+$0x0] =	vst.idx.add.f32.msk $0xffff, v0  }
0x1d: {  	v1 =	vld [tilespmem:s7+$0x0];
	_ =	sdelay $0x7  }
0x1e: {  	s5 =	simm.s32 $0x400;
	s31 =	simm.s32 $0x2800;
	[tilespmem:v1+s4+$0x0] =	vst.idx.add.f32.msk $0xffff, v0;
	s4 =	simm.s32 $0x80  }
0x1f: {  	[spmem:s6] =	stream.strided.scatter [tilespmem:s31], [sflag:$0x1], $0x2800, s5, s4, $0x38;
	[tilespmem:$0x7D00] =	vst v63  }
0x20: {  	s6 =	simm.s32 $0x1  }
0x21: {  	_ =	swait.ge [sflag:s6], $0x2800  }
0x22: {  	[sflag:s6] =	ssyncset.done $0x0  }
0x23: {  	[sflag:s6] =	ssyncadd.s32 $0xFFFFD800  }
0x24: {  	v63 =	vimm.f32 $1.000000000e+00;
	[bflag:$0x0] =	sbarrier.arrive $0xFFFF  }
0x25: {  	[tilespmem:$0x5280] =	vst v63  }
0x26: {  	[tilespmem:$0x5290] =	vst v63  }
0x27: {  	[tilespmem:$0x52A0] =	vst v63  }
0x28: {  	[tilespmem:$0x52B0] =	vst v63  }
0x29: {  	[tilespmem:$0x52C0] =	vst v63  }
0x2a: {  	[tilespmem:$0x52D0] =	vst v63  }
0x2b: {  	[tilespmem:$0x52E0] =	vst v63  }
0x2c: {  	[tilespmem:$0x52F0] =	vst v63  }
0x2d: {  	[tilespmem:$0x5300] =	vst v63  }
0x2e: {  	[tilespmem:$0x5310] =	vst v63  }
0x2f: {  	[tilespmem:$0x5320] =	vst v63  }
0x30: {  	[tilespmem:$0x5330] =	vst v63  }
0x31: {  	[tilespmem:$0x5340] =	vst v63  }
0x32: {  	[tilespmem:$0x5350] =	vst v63  }
0x33: {  	[tilespmem:$0x5360] =	vst v63  }
0x34: {  	[tilespmem:$0x5370] =	vst v63  }
0x35: {  	[tilespmem:$0x5380] =	vst v63  }
0x36: {  	[tilespmem:$0x5390] =	vst v63  }
0x37: {  	[tilespmem:$0x53A0] =	vst v63  }
0x38: {  	[tilespmem:$0x53B0] =	vst v63  }
0x39: {  	[tilespmem:$0x53C0] =	vst v63  }
0x3a: {  	[tilespmem:$0x53D0] =	vst v63  }
0x3b: {  	[tilespmem:$0x53E0] =	vst v63  }
0x3c: {  	[tilespmem:$0x53F0] =	vst v63  }
0x3d: {  	[tilespmem:$0x5400] =	vst v63  }
0x3e: {  	[tilespmem:$0x5410] =	vst v63  }
0x3f: {  	[tilespmem:$0x5420] =	vst v63  }
0x40: {  	[tilespmem:$0x5430] =	vst v63  }
0x41: {  	[tilespmem:$0x5440] =	vst v63  }
0x42: {  	[tilespmem:$0x5450] =	vst v63  }
0x43: {  	[tilespmem:$0x5460] =	vst v63  }
0x44: {  	[tilespmem:$0x5470] =	vst v63  }
0x45: {  	[tilespmem:$0x5480] =	vst v63  }
0x46: {  	[tilespmem:$0x5490] =	vst v63  }
0x47: {  	[tilespmem:$0x54A0] =	vst v63  }
0x48: {  	[tilespmem:$0x54B0] =	vst v63  }
0x49: {  	[tilespmem:$0x54C0] =	vst v63  }
0x4a: {  	[tilespmem:$0x54D0] =	vst v63  }
0x4b: {  	[tilespmem:$0x54E0] =	vst v63  }
0x4c: {  	s7 =	simm.s32 $0x0;
	s8 =	simm.s32 $0x5000;
	[tilespmem:$0x54F0] =	vst v63  }
.LBB2_6:
0x4d: {  	s9 =	sshrl.u32 s7, $0x3  }
0x4e: {  	s9 =	smul.u32 $0x50000, s9;
	_ =	sdelay $0x1  }
0x4f: {  	s10 =	sshll.u32 s7, $0x7;
	s9 =	sshra.s32 s9, $0x2  }
0x50: {  	s10 =	sand.u32 $0x380, s10;
	s9 =	sadd.s32 s9, s3  }
0x51: {  	s9 =	sadd.s32 s10, s9  }
0x52: {  	[tilespmem:s8], [sflag:$0x1] =	stream.strided.gather [spmem:s9], $0x280, s5, s4, $0x38;
	[tilespmem:$0x7D00] =	vst v63  }
0x53: {  	_ =	swait.ge [sflag:s6], $0x280  }
0x54: {  	[sflag:s6] =	ssyncset.done $0x0  }
0x55: {  	s9 =	simm.s32 $0x0;
	[sflag:s6] =	ssyncadd.s32 $0xFFFFFD80  }
0x56: {  	s10 =	simm.s32 $0x40;
	v0 =	vld [tilespmem:s9+$0x5000]  }
.LBB2_7:
0x57: {  	p0 =	sne.s32 s10, $0x9C0;
	v1 =	vld [tilespmem:s9+$0x5280];
	_ =	sdelay $0x2  }
.Ltmp3:
0x58: {  	(pc) =	sbr.rel @p0 .LBB2_7-.Ltmp3, $4  }
0x59: {  	_ = 	snop  }
0x5a: {  	v1 =	vadd.f32 v0, v1  }
0x5b: {  	s11 =	sshra.s32 s10, $0x2  }
0x5c: {  	s10 =	sadd.s32 $0x40, s10;
	v0 =	vld [tilespmem:s11+$0x5000];
	[tilespmem:s9+$0x5280] =	vst v1;
	s9 =	smov.u32 s11  }
0x5d: {  	v1 =	vld [tilespmem:s9+$0x5280]  }
0x5e: {  	s7 =	sadd.s32 $0x1, s7  }
0x5f: {  	p0 =	sne.s32 s7, $0x10  }
.Ltmp4:
0x60: {  	_ = 	snop;
	(pc) =	sbr.rel @p0 .LBB2_6-.Ltmp4, $3  }
0x61: {  	_ = 	snop  }
0x62: {  	v0 =	vadd.f32 v0, v1;
	_ =	sdelay $0x1  }
0x63: {  	[tilespmem:s9+$0x5280] =	vst v0  }
0x64: {  	s3 =	simm.s32 $0x0;
	s4 =	simm.s32 $0x5280;
	s31 =	simm.s32 $0x1  }
0x65: {  	[hbm4b:s2+s3] =	stream.linear.scatter [tilespmem:s4], [sflag:$0x1], $0x280, $0x38;
	[tilespmem:$0x7D00] =	vst v63  }
0x66: {  	_ =	swait.ge [sflag:s31], $0x280  }
0x67: {  	[sflag:s31] =	ssyncset.done $0x0  }
0x68: {  	[sflag:s31] =	ssyncadd.s32 $0xFFFFFD80  }
.LBB2_10:
0x69: {  	_ =	sfence.sel $0x180000  }
0x6a: {  	[bflag:$0x0] =	sbarrier.arrive $0xFFFF  }
0x6b: {  	p0 =	sne.s32 s1, $0x0;
	_ =	strace $0x90000047  }
0x6c: {  	s0 =	sadd.s32 @!p0 $0x100000, s0;
	[bflag:$0x2] =	sbarrier.arrive $0xFFFF  }
0x6d: {  	[sflag:s0] =	ssyncadd.tile.s32 @!p0 $0x1;
	_ =	shalt  }
.Lfunc_end2:
_tile_overlayer_lowered:
.L_overlay_start_2:
0x6e: {  	(tag) =	ssettag $0x2  }
0x6f: {  	s0 =	rddreg [dreg:$0x0];
	s2 =	stileid.u32  }
0x70: {  	s1 =	rddreg [dreg:$0x1];
	p0 =	sne.s32 s2, $0x0  }
0x71: {  	s3 =	rddreg [dreg:$0x2];
	[bflag:$0x3] =	sbarrier.arrive $0xFFFF;
	s2 =	simm.s32 @!p0 $0x1C01  }
0x72: {  	[timem:s3], [sflag:s2] =	dma.local @!p0 [hbm:s0], s1  }
0x73: {  	s0 =	simm.s32 @!p0 $0x1  }
0x74: {  	_ =	swait.ge @!p0 [sflag:s0], s1  }
0x75: {  	s1 =	ssub.s32 @!p0 $0x0, s1;
	[sflag:s0] =	ssyncset.done @!p0 $0x0  }
0x76: {  	[sflag:s0] =	ssyncadd.s32 @!p0 s1  }
0x77: {  	[bflag:$0x3] =	sbarrier.arrive $0xFFFF  }
0x78: {  	_ =	shalt  }

// kernel: kernel.9.cloned.1.call-start
scs
__scs_entry_jumppad:
0x0: {  	(pc) =	sbr.rel $0x88, $3  }
0x1: {  	(tag) =	ssettag $0x0;
	lr =	simm.s32 $0x1  }
0x2: {  	[smem:$0x3F9B] =	sst lr;
	_ =	strace $0xD0000000  }
0x3: {  	_ = 	snop  }
0x4: {  	_ = 	snop  }
0x5: {  	_ = 	snop  }
0x6: {  	_ = 	snop  }
0x7: {  	_ = 	snop  }
__scs_overlays_trampoline_lowered:
0x8: {  	[smem:$0x3FAA] =	sst s0  }
0x9: {  	[smem:$0x3FAB] =	sst s1  }
0xa: {  	[smem:$0x3FAC] =	sst s2  }
0xb: {  	[smem:$0x3FAD] =	sst s3  }
0xc: {  	[smem:$0x3FAE] =	sst s4  }
0xd: {  	[smem:$0x3FAF] =	sst s5  }
0xe: {  	[smem:$0x3FB0] =	sst s6  }
0xf: {  	[smem:$0x3FB1] =	sst s7  }
0x10: {  	[smem:$0x3FB2] =	sst s8  }
0x11: {  	[smem:$0x3FB3] =	sst s9;
	s0 =	simm.s32 @!p0 $0x0  }
0x12: {  	s1 =	sld [smem:$0x3F99];
	s0 =	simm.s32 @p0 $0x1  }
0x13: {  	[smem:$0x3FB4] =	sst s0;
	s0 =	simm.s32 @!p1 $0x0  }
0x14: {  	s2 =	sld [smem:$0x3F98];
	s0 =	simm.s32 @p1 $0x1  }
0x15: {  	[smem:$0x3FB5] =	sst s0;
	s0 =	simm.s32 @!p2 $0x0  }
0x16: {  	s3 =	sld [smem:$0x3FDB];
	s0 =	simm.s32 @p2 $0x1  }
0x17: {  	s4 =	simm.s32 $0x1BF5;
	[smem:$0x3FB7] =	sst s0  }
0x18: {  	s0 =	sld [smem:$0x3F9A];
	_ =	swait.ge [sflag:s4], $0x0  }
0x19: {  	s7 =	sld [smem:$0x3F9B]  }
0x1a: {  	s8 =	sadd.s32 $0xFFFFE003, lr  }
0x1b: {  	s9 =	sadd.s32 $0xFFFFFEF7, lr;
	s5 =	simm.s32 $0xFFFFFFFF;
	p2 =	slt.u32 s8, $0xFFFFF086  }
0x1c: {  	p1 =	slt.u32 s9, $0xF7A;
	s5 =	simm.s32 @!p2 $0x0  }
0x1d: {  	s5 =	simm.s32 @p1 $0x1;
	p0 =	seq.s32 s7, s2  }
0x1e: {  	s7 =	smul.u32 @!p0 $0xF7A, s2;
	p2 =	seq.s32 @!p0 s5, $0x0  }
0x1f: {  	s9 =	smul.u32 $0xF7A, s1;
	s8 =	simm.s32 @!p0 $0x1BF5;
	p2 =	por !p2, p0  }
0x20: {  	[sflag:s8] =	ssyncset.s32 @!p0 $0xFFFFF086;
	s6 =	sadd.s32 @!p0 s3, s7;
	s7 =	simm.s32 @!p0 $0x108  }
0x21: {  	s3 =	sadd.s32 s3, s9;
	s6 =	sadd.s32 @!p0 $0x88, s6;
	s7 =	simm.s32 @p2 $0x1082  }
0x22: {  	[simem:s7], [sflag:s8] =	dma.local @!p0 [hbm:s6], $0xF7A  }
0x23: {  	s9 =	sor.u32 $0xD0000000, s2;
	s6 =	simm.s32 $0x108;
	_ =	swait.ge @!p0 [sflag:s8], $0x0  }
0x24: {  	s3 =	sadd.s32 $0x88, s3;
	s6 =	simm.s32 @!p1 $0x1082;
	[sflag:s4] =	ssyncset.s32 $0xFFFFF086  }
0x25: {  	[simem:s6], [sflag:s4] =	dma.local [hbm:s3], $0xF7A  }
0x26: {  	[smem:$0x3F9B] =	sst s1;
	(tag) =	ssettag s2;
	_ =	strace s9  }
0x27: {  	s1 =	sld [smem:$0x3FAB]  }
0x28: {  	s2 =	sld [smem:$0x3FAC]  }
0x29: {  	s4 =	sld [smem:$0x3FAE]  }
0x2a: {  	p0 =	seq.s32 s5, $0x0;
	s5 =	sld [smem:$0x3FAF]  }
0x2b: {  	s6 =	sld [smem:$0x3FB0]  }
0x2c: {  	s7 =	sld [smem:$0x3FB1]  }
0x2d: {  	s3 =	simm.s32 $0x108;
	s8 =	sld [smem:$0x3FB2]  }
0x2e: {  	s3 =	simm.s32 @!p0 $0x1082;
	s9 =	sld [smem:$0x3FB3]  }
0x2f: {  	lr =	sadd.s32 s0, s3;
	s0 =	sld [smem:$0x3FAA]  }
0x30: {  	s3 =	sld [smem:$0x3FAD]  }
0x31: {  	[smem:$0x3FB6] =	sst s10  }
0x32: {  	s10 =	sld [smem:$0x3FB4];
	_ =	sdelay $0x3  }
0x33: {  	p0 =	seq.s32 s10, $0x1;
	s10 =	sld [smem:$0x3FB6];
	_ =	sdelay $0x3  }
0x34: {  	[smem:$0x3FB6] =	sst s10  }
0x35: {  	s10 =	sld [smem:$0x3FB5];
	_ =	sdelay $0x3  }
0x36: {  	p1 =	seq.s32 s10, $0x1;
	s10 =	sld [smem:$0x3FB6];
	_ =	sdelay $0x3  }
0x37: {  	[smem:$0x3FB6] =	sst s10  }
0x38: {  	s10 =	sld [smem:$0x3FB7]  }
0x39: {  	_ = 	snop;
	(pc) =	sbr.ind lr, $3  }
0x3a: {  	_ = 	snop  }
0x3b: {  	_ = 	snop  }
0x3c: {  	p2 =	seq.s32 s10, $0x1;
	s10 =	sld [smem:$0x3FB6]  }
0x3d: {  	_ =	shalt  }
0x3e: {  	_ =	shalt  }
0x3f: {  	_ =	shalt  }
0x40: {  	_ =	shalt  }
0x41: {  	_ =	shalt  }
0x42: {  	_ =	shalt  }
0x43: {  	_ =	shalt  }
0x44: {  	_ =	shalt  }
0x45: {  	_ =	shalt  }
0x46: {  	_ =	shalt  }
0x47: {  	_ =	shalt  }
0x48: {  	_ =	shalt  }
0x49: {  	_ =	shalt  }
0x4a: {  	_ =	shalt  }
0x4b: {  	_ =	shalt  }
0x4c: {  	_ =	shalt  }
0x4d: {  	_ =	shalt  }
0x4e: {  	_ =	shalt  }
0x4f: {  	_ =	shalt  }
0x50: {  	_ =	shalt  }
0x51: {  	_ =	shalt  }
0x52: {  	_ =	shalt  }
0x53: {  	_ =	shalt  }
0x54: {  	_ =	shalt  }
0x55: {  	_ =	shalt  }
0x56: {  	_ =	shalt  }
0x57: {  	_ =	shalt  }
0x58: {  	_ =	shalt  }
0x59: {  	_ =	shalt  }
0x5a: {  	_ =	shalt  }
0x5b: {  	_ =	shalt  }
0x5c: {  	_ =	shalt  }
0x5d: {  	_ =	shalt  }
0x5e: {  	_ =	shalt  }
0x5f: {  	_ =	shalt  }
0x60: {  	_ =	shalt  }
0x61: {  	_ =	shalt  }
0x62: {  	_ =	shalt  }
0x63: {  	_ =	shalt  }
0x64: {  	_ =	shalt  }
0x65: {  	_ =	shalt  }
0x66: {  	_ =	shalt  }
0x67: {  	_ =	shalt  }
0x68: {  	_ =	shalt  }
0x69: {  	_ =	shalt  }
0x6a: {  	_ =	shalt  }
0x6b: {  	_ =	shalt  }
0x6c: {  	_ =	shalt  }
0x6d: {  	_ =	shalt  }
0x6e: {  	_ =	shalt  }
0x6f: {  	_ =	shalt  }
0x70: {  	_ =	shalt  }
0x71: {  	_ =	shalt  }
0x72: {  	_ =	shalt  }
0x73: {  	_ =	shalt  }
0x74: {  	_ =	shalt  }
0x75: {  	_ =	shalt  }
0x76: {  	_ =	shalt  }
0x77: {  	_ =	shalt  }
0x78: {  	_ =	shalt  }
0x79: {  	_ =	shalt  }
0x7a: {  	_ =	shalt  }
0x7b: {  	_ =	shalt  }
0x7c: {  	_ =	shalt  }
0x7d: {  	_ =	shalt  }
0x7e: {  	_ =	shalt  }
0x7f: {  	_ =	shalt  }
0x80: {  	_ =	shalt  }
0x81: {  	_ =	shalt  }
0x82: {  	_ =	shalt  }
0x83: {  	_ =	shalt  }
0x84: {  	_ =	shalt  }
0x85: {  	_ =	shalt  }
0x86: {  	_ =	shalt  }
0x87: {  	_ =	shalt  }
.Lfunc_end0:
.L_simem_size_0:
called_computation.1_lowered:
.L_overlay_start_0:
0x88: {  	s2 =	sld [smem:$0x3FD9]  }
0x89: {  	s3 =	sld [smem:$0x3FFE];
	_ =	sdelay $0x1  }
0x8a: {  	s1 =	srdreg.scid  }
0x8b: {  	s0 =	sand.u32 $0x1, s1  }
0x8c: {  	s17 =	sshll.u32 s0, $0xA;
	s2 =	sadd.s32 s3, s2  }
0x8d: {  	s2 =	sadd.s32 s2, s17  }
0x8e: {  	[smem:$0x3FC2] =	sst s2  }
0x8f: {  	_ = 	snop  }
0x90: {  	s2 =	sld [smem:$0x3FD0];
	(tm) =	ssettm $0x1  }
0x91: {  	s18 =	sld [smem:$0x3FFB];
	_ =	sdelay $0x3  }
0x92: {  	_ =	strace s18  }
0x93: {  	s3 =	sld [smem:$0x3FFC];
	_ =	sdelay $0x3  }
0x94: {  	_ =	strace s3  }
0x95: {  	s3 =	sld [smem:$0x3FFD];
	_ =	sdelay $0x3  }
0x96: {  	_ =	strace s3  }
0x97: {  	_ =	strace $0x8FFFFFFF  }
0x98: {  	s19 =	sld [smem:$0x3FDB];
	_ =	sdelay $0x1  }
0x99: {  	s4 =	simm.s32 $_scs_section_size  }
0x9a: {  	s5 =	simm.s32 $_size__tile_overlayer_lowered;
	s6 =	simm.s32 $_tile_overlayer_lowered  }
0x9b: {  	s22 =	simm.s32 $0x1BFF;
	s21 =	sshll.u32 s6, $0x1;
	s3 =	sadd.s32 s4, s19  }
0x9c: {  	s7 =	simm.s32 $0x0;
	s20 =	sshll.u32 s5, $0x1;
	s5 =	sadd.s32 s21, s3  }
0x9d: {  	[timem:s7], [sflag:s22] =	dma.local [hbm:s5], s20  }
0x9e: {  	_ =	swait.ge [sflag:s22], s20  }
0x9f: {  	s4 =	ssub.s32 $0x0, s20;
	[sflag:s22] =	ssyncset.done $0x0  }
0xa0: {  	[sflag:s22] =	ssyncadd.s32 s4;
	_ =	sdelay $0x1  }
0xa1: {  	s23 =	simm.s32 $0x1B8B  }
0xa2: {  	_ =	swait.ge [sflag:s23], $0x1  }
0xa3: {  	[sflag:s23] =	ssyncset.done $0x0  }
0xa4: {  	s25 =	simm.s32 $0x1B8E;
	s24 =	sld [smem:$0x3FFE];
	[sflag:s23] =	ssyncadd.s32 $0xFFFFFFFF  }
0xa5: {  	s26 =	simm.s32 $execute0_lowered;
	[smem:$0x3FD2] =	sst s25  }
0xa6: {  	s5 =	sshll.u32 s26, $0x1;
	_ =	strace $0x80000049;
	[dreg:$0x1] =	wrdreg $0xFFFFFFFF  }
0xa7: {  	s28 =	simm.s32 $_size_execute0_lowered;
	s3 =	sadd.s32 s3, s5;
	[dreg:$0x0] =	wrdreg $0x0  }
0xa8: {  	s5 =	sshll.u32 s28, $0x1;
	[dreg:$0x2] =	wrdreg s3  }
0xa9: {  	[dreg:$0x3] =	wrdreg s5  }
0xaa: {  	[dreg:$0x4] =	wrdreg $0xC0  }
0xab: {  	_ =	task [dreg:s7], $0x5FFFF  }
0xac: {  	[dreg:$0x1] =	wrdreg $0xFFFFFFFF  }
0xad: {  	[dreg:$0x0] =	wrdreg $0x60  }
0xae: {  	[dreg:$0x2] =	wrdreg s2  }
0xaf: {  	[dreg:$0x3] =	wrdreg s24  }
0xb0: {  	[dreg:$0x4] =	wrdreg $0x90000  }
0xb1: {  	[dreg:$0x5] =	wrdreg $0x9  }
0xb2: {  	_ =	task.clear_ibuf [dreg:s7], $0x6FFFF;
	_ =	strace $0x90000049  }
0xb3: {  	s29 =	simm.s32 $0x9;
	_ =	strace $0x8000004B  }
0xb4: {  	_ =	swait.ge [sflag:s29], $0x1  }
0xb5: {  	[sflag:s29] =	ssyncadd.s32 $0xFFFFFFFF  }
0xb6: {  	_ =	strace $0x9000004B  }
0xb7: {  	_ =	sfence  }
0xb8: {  	s30 =	sld [smem:$0x0];
	_ =	sdelay $0x2  }
0xb9: {  	s31 =	sshll.u32 s1, $0xD;
	s1 =	sshrl.u32 s1, $0x2  }
0xba: {  	s3 =	sand.u32 $0x4000, s31;
	s1 =	sadd.s32 s1, s30  }
0xbb: {  	s0 =	sor.u32 s3, s0;
	s1 =	sshll.u32 s1, $0x11  }
0xbc: {  	s0 =	sor.u32 s1, s0  }
0xbd: {  	s0 =	sadd.s32 $0x8F2B, s0  }
0xbe: {  	[sflag:s0] =	ssyncadd.remote.s32 $0x1  }
0xbf: {  	_ =	sfence.sel $0xFFFF  }
0xc0: {  	[dreg:$0x0] =	wrdreg $0xFFFFFFFF;
	(pc) =	sbr.abs _section_cstart, $3  }
0xc1: {  	[dreg:$0x1] =	wrdreg $0xFFFFFFFF  }
0xc2: {  	_ =	task.clear_ibuf [dreg:s7], $0x2FFFF;
	_ =	strace $0x9FFFFFFF  }
0xc3: {  	(tm) =	ssettm $0x7FFFFFFF  }
tec
execute0_lowered:
.L_overlay_start_1:
0x0: {  	(tag) =	ssettag $0x1  }
0x1: {  	s1 =	rddreg [dreg:$0x0]  }
0x2: {  	s2 =	srdreg.scid;
	s5 =	rddreg [dreg:$0x1]  }
0x3: {  	s0 =	stileid.u32;
	s3 =	rddreg [dreg:$0x2];
	s4 =	simm.s32 $0x0  }
0x4: {  	s14 =	simm.s32 $0x2;
	s15 =	simm.s32 $0x2800;
	s7 =	smul.u32 $0x2800, s0  }
0x5: {  	s16 =	simm.s32 $0x5000;
	s17 =	simm.s32 $0x80;
	s10 =	smul.u32 $0x14000, s0  }
0x6: {  	s18 =	simm.s32 $0x1;
	s6 =	sand.u32 $0x1, s2;
	s31 =	smul.u32 $0x50000, s0  }
0x7: {  	s21 =	simm.s32 $0x0;
	s2 =	rddreg [dreg:$0x3];
	s8 =	smul.u32 $0x28000, s6  }
0x8: {  	[smem:$0x7FF] =	sst s4;
	s19 =	sshll.u32 s0, $0x6;
	s9 =	smul.u32 $0x140000, s6  }
0x9: {  	_ =	strace $0x8000004A;
	s6 =	ssub.s32 $0x2, s6;
	s19 =	sor.u32 $0x1C02, s19  }
0xa: {  	s11 =	sshrl.u32 s6, $0x1;
	s8 =	sadd.s32 s7, s8;
	s7 =	sshrl.u32 s7, $0x3  }
0xb: {  	s9 =	sadd.s32 s10, s9;
	s11 =	ssub.s32 s6, s11;
	s10 =	sshrl.u32 s31, $0x2  }
0xc: {  	s8 =	sshrl.u32 s8, $0x3;
	s7 =	sadd.s32 s7, s5;
	s9 =	sshrl.u32 s9, $0x3  }
0xd: {  	s8 =	sadd.s32 s8, s5;
	s9 =	sadd.s32 s9, s5;
	s6 =	sadd.s32 $0x1C00, s7  }
0xe: {  	s7 =	sadd.s32 s10, s3;
	s5 =	sadd.s32 $0x6C00, s8;
	s8 =	sadd.s32 $0x10C00, s9  }
0xf: {  	s9 =	smax.u32 s11, $0x1;
	s10 =	sadd.s32 $0x4000, s7;
	s11 =	sadd.s32 $0x8000, s7  }
0x10: {  	v0 =	vimm.f32 $0.0e+00;
	s12 =	sadd.s32 $0xC000, s7;
	s13 =	sadd.s32 $0x10000, s7;
	s20 =	sshrl.u32 s7, $0x3  }
.LBB2_1:
0x11: {  	[tilespmem:s4], [sflag:$0x2] =	stream.linear.gather [hbm4b:s5+s4], $0x2800, $0x38;
	[tilespmem:$0x1D000] =	vst v63  }
0x12: {  	_ =	swait.ge [sflag:s14], $0x2800  }
0x13: {  	[sflag:s14] =	ssyncset.done $0x0  }
0x14: {  	[sflag:s14] =	ssyncadd.s32 $0xFFFFD800  }
0x15: {  	[tilespmem:s15], [sflag:$0x2] =	stream.linear.gather [hbm4b:s6+s4], $0x2800, $0x38;
	[tilespmem:$0x1D000] =	vst v63  }
0x16: {  	_ =	swait.ge [sflag:s14], $0x2800  }
0x17: {  	[sflag:s14] =	ssyncset.done $0x0  }
0x18: {  	s22 =	simm.s32 $0x10;
	s23 =	sand.u32 $0x3FF0, s4;
	[sflag:s14] =	ssyncadd.s32 $0xFFFFD800  }
.LBB2_2:
0x19: {  	p0 =	sne.s32 s22, $0x3FF0;
	[tilespmem:s23+$0x5000] =	vst v0;
	s23 =	smov.u32 s22;
	s22 =	sadd.s32 $0x10, s22  }
.Ltmp0:
0x1a: {  	(pc) =	sbr.rel @p0 .LBB2_2-.Ltmp0, $2  }
0x1b: {  	_ =	sdelay $0x2  }
0x1c: {  	s23 =	sand.u32 $0x3FF0, s23  }
0x1d: {  	[tilespmem:s23+$0x5000] =	vst v0  }
0x1e: {  	[spmem:s7] =	stream.linear.scatter [tilespmem:s16], [sflag:$0x2], $0x4000, $0x38;
	[tilespmem:$0x1D000] =	vst v63  }
0x1f: {  	_ =	swait.ge [sflag:s14], $0x4000  }
0x20: {  	[sflag:s14] =	ssyncset.done $0x0  }
0x21: {  	[sflag:s14] =	ssyncadd.s32 $0xFFFFC000  }
0x22: {  	[spmem:s10] =	stream.linear.scatter [tilespmem:s16], [sflag:$0x2], $0x4000, $0x38;
	[tilespmem:$0x1D000] =	vst v63  }
0x23: {  	_ =	swait.ge [sflag:s14], $0x4000  }
0x24: {  	[sflag:s14] =	ssyncset.done $0x0  }
0x25: {  	[sflag:s14] =	ssyncadd.s32 $0xFFFFC000  }
0x26: {  	[spmem:s11] =	stream.linear.scatter [tilespmem:s16], [sflag:$0x2], $0x4000, $0x38;
	[tilespmem:$0x1D000] =	vst v63  }
0x27: {  	_ =	swait.ge [sflag:s14], $0x4000  }
0x28: {  	[sflag:s14] =	ssyncset.done $0x0  }
0x29: {  	[sflag:s14] =	ssyncadd.s32 $0xFFFFC000  }
0x2a: {  	[spmem:s12] =	stream.linear.scatter [tilespmem:s16], [sflag:$0x2], $0x4000, $0x38;
	[tilespmem:$0x1D000] =	vst v63  }
0x2b: {  	_ =	swait.ge [sflag:s14], $0x4000  }
0x2c: {  	[sflag:s14] =	ssyncset.done $0x0  }
0x2d: {  	[sflag:s14] =	ssyncadd.s32 $0xFFFFC000  }
0x2e: {  	[spmem:s13] =	stream.linear.scatter [tilespmem:s16], [sflag:$0x2], $0x4000, $0x38;
	[tilespmem:$0x1D000] =	vst v63  }
0x2f: {  	_ =	swait.ge [sflag:s14], $0x4000  }
0x30: {  	[sflag:s14] =	ssyncset.done $0x0  }
0x31: {  	[sflag:s14] =	ssyncadd.s32 $0xFFFFC000  }
0x32: {  	s22 =	simm.s32 $0x0;
	[bflag:$0x0] =	sbarrier.arrive $0xFFFF  }
0x33: {  	[tilespmem:s16], [sflag:$0x1] =	stream.indirect.gather [hbm4b:s1+s17], $0x80, s22, s17, $0xb8;
	[tilespmem:$0x1D000] =	vst v63  }
0x34: {  	_ =	swait.ge [sflag:s18], $0x4000  }
0x35: {  	[sflag:s18] =	ssyncset.done $0x0  }
0x36: {  	s31 =	simm.s32 $0x2800;
	[sflag:s18] =	ssyncadd.s32 $0xFFFFC000  }
0x37: {  	[spmem:s3] =	stream.indirect.scatter.add.f32 [tilespmem:s16], [sflag:$0x2], $0x80, s31, s17, $0xb8;
	[tilespmem:$0x1D000] =	vst v63  }
0x38: {  	_ =	swait.ge [sflag:s14], $0x4000  }
0x39: {  	s23 =	simm.s32 $0x400;
	s22 =	simm.s32 $0x200;
	[sflag:s14] =	ssyncset.done $0x0  }
.LBB2_4:
0x3a: {  	s24 =	sshra.s32 s22, $0x2  }
0x3b: {  	[sflag:s14] =	ssyncadd.s32 $0xFFFFC000;
	s22 =	smov.u32 s23;
	s25 =	sadd.s32 $0x200, s23  }
0x3c: {  	[tilespmem:s16], [sflag:$0x1] =	stream.indirect.gather [hbm4b:s1+s17], $0x80, s24, s17, $0xb8;
	[tilespmem:$0x1D000] =	vst v63  }
0x3d: {  	p0 =	sne.s32 s23, $0x9E00;
	_ =	swait.ge [sflag:s18], $0x4000  }
.Ltmp1:
0x3e: {  	[sflag:s18] =	ssyncset.done $0x0;
	(pc) =	sbr.rel @p0 .LBB2_4-.Ltmp1, $4  }
0x3f: {  	s23 =	sadd.s32 $0x2800, s24;
	[sflag:s18] =	ssyncadd.s32 $0xFFFFC000  }
0x40: {  	[spmem:s3] =	stream.indirect.scatter.add.f32 [tilespmem:s16], [sflag:$0x2], $0x80, s23, s17, $0xb8;
	[tilespmem:$0x1D000] =	vst v63  }
0x41: {  	_ =	swait.ge [sflag:s14], $0x4000  }
0x42: {  	s23 =	smov.u32 s25;
	[sflag:s14] =	ssyncset.done $0x0  }
0x43: {  	s22 =	sshra.s32 s22, $0x2;
	[sflag:s14] =	ssyncadd.s32 $0xFFFFC000  }
0x44: {  	[tilespmem:s16], [sflag:$0x1] =	stream.indirect.gather [hbm4b:s1+s17], $0x80, s22, s17, $0xb8;
	[tilespmem:$0x1D000] =	vst v63  }
0x45: {  	_ =	swait.ge [sflag:s18], $0x4000  }
0x46: {  	[sflag:s18] =	ssyncset.done $0x0  }
0x47: {  	s22 =	sadd.s32 $0x2800, s22;
	[sflag:s18] =	ssyncadd.s32 $0xFFFFC000  }
0x48: {  	[spmem:s3] =	stream.indirect.scatter.add.f32 [tilespmem:s16], [sflag:$0x2], $0x80, s22, s17, $0xb8;
	[tilespmem:$0x1D000] =	vst v63  }
0x49: {  	_ =	swait.ge [sflag:s14], $0x4000  }
0x4a: {  	s21 =	sadd.s32 $0x1, s21;
	[sflag:s14] =	ssyncset.done $0x0  }
0x4b: {  	p0 =	sne.s32 s21, s9;
	[sflag:s14] =	ssyncadd.s32 $0xFFFFC000  }
.Ltmp2:
0x4c: {  	[bflag:$0x0] =	sbarrier.arrive $0xFFFF;
	(pc) =	sbr.rel @p0 .LBB2_1-.Ltmp2, $4  }
0x4d: {  	[hbm:s8], [sflag:s19] =	dma.local [spmem:s20], $0x2800  }
0x4e: {  	_ =	swait.ge [sflag:s14], $0x2800  }
0x4f: {  	[sflag:s14] =	ssyncset.done $0x0  }
0x50: {  	[sflag:s14] =	ssyncadd.s32 $0xFFFFD800  }
0x51: {  	_ =	sfence.sel $0x180000  }
0x52: {  	[bflag:$0x0] =	sbarrier.arrive $0xFFFF  }
0x53: {  	p0 =	sne.s32 s0, $0x0;
	_ =	strace $0x9000004A  }
0x54: {  	s0 =	sadd.s32 @!p0 $0x100000, s2;
	[bflag:$0x2] =	sbarrier.arrive $0xFFFF  }
0x55: {  	[sflag:s0] =	ssyncadd.tile.s32 @!p0 $0x1;
	_ =	shalt  }
.Lfunc_end2:
_tile_overlayer_lowered:
.L_overlay_start_2:
0x56: {  	(tag) =	ssettag $0x2  }
0x57: {  	s0 =	rddreg [dreg:$0x0];
	s2 =	stileid.u32  }
0x58: {  	s1 =	rddreg [dreg:$0x1];
	p0 =	sne.s32 s2, $0x0  }
0x59: {  	s3 =	rddreg [dreg:$0x2];
	[bflag:$0x3] =	sbarrier.arrive $0xFFFF;
	s2 =	simm.s32 @!p0 $0x1C02  }
0x5a: {  	[timem:s3], [sflag:s2] =	dma.local @!p0 [hbm:s0], s1  }
0x5b: {  	s0 =	simm.s32 @!p0 $0x2  }
0x5c: {  	_ =	swait.ge @!p0 [sflag:s0], s1  }
0x5d: {  	s1 =	ssub.s32 @!p0 $0x0, s1;
	[sflag:s0] =	ssyncset.done @!p0 $0x0  }
0x5e: {  	[sflag:s0] =	ssyncadd.s32 @!p0 s1  }
0x5f: {  	[bflag:$0x3] =	sbarrier.arrive $0xFFFF  }
0x60: {  	_ =	shalt  }

</sc_bundles>
